<compile_context>
chip_gen: v7x
topology: tpu7x:2x2x1
jax: 0.10.2.dev20260603
libtpu: 0.0.44.dev20260713+nightly
codegen_flags: <defaults>
</compile_context>

<pallas_src>
import functools

import jax
import jax.numpy as jnp
from jax import lax
from jax.experimental import pallas as pl
from jax.experimental.pallas import tpu as pltpu
from jax.experimental.pallas import tpu_sc as plsc

B, L, D, K, LP = 1024, 200, 128, 2, 64
H = D + K * LP
VOCAB = 100000
FEAT_ID, TGT_ID = 3, 4
EPS = 1e-12

N = B * L
CHUNK = 128
NBUF = 4


def _sc_gather(table, idx_flat, n_tokens):
  info = plsc.get_sparse_core_info()
  nw = info.num_cores * info.num_subcores
  chunks_per_w = n_tokens // (nw * CHUNK)
  rows_per_w = chunks_per_w * CHUNK
  idx3d = idx_flat.reshape(nw, chunks_per_w, CHUNK)

  mesh = plsc.VectorSubcoreMesh(core_axis_name="c", subcore_axis_name="s")

  @functools.partial(
      pl.kernel,
      mesh=mesh,
      out_type=jax.ShapeDtypeStruct((n_tokens, D), jnp.float32),
      scratch_types=[
          pltpu.VMEM((chunks_per_w, CHUNK), jnp.int32),
          pltpu.VMEM((NBUF, CHUNK, D), jnp.float32),
      ] + [pltpu.SemaphoreType.DMA] * (2 * NBUF),
  )
  def k(table_hbm, idx_hbm, out_hbm, idx_v, rows_v, *sems):
    gs, ss = sems[:NBUF], sems[NBUF:]
    wid = lax.axis_index("s") * info.num_cores + lax.axis_index("c")
    base_row = wid * rows_per_w
    pltpu.sync_copy(idx_hbm.at[wid], idx_v)

    def g_copy(j, b):
      return pltpu.make_async_copy(
          table_hbm.at[idx_v.at[j]], rows_v.at[b], gs[b])

    def s_copy(j, b):
      return pltpu.make_async_copy(
          rows_v.at[b], out_hbm.at[pl.ds(base_row + j * CHUNK, CHUNK)], ss[b])

    nch = chunks_per_w
    g_copy(0, 0).start()
    g_copy(1, 1).start()

    n_up = ((nch + NBUF - 1) // NBUF) * NBUF

    @pl.loop(0, n_up, step=NBUF)
    def _(j0):
      for b in range(NBUF):
        j = j0 + b

        @pl.when(j < nch)
        def _():
          g_copy(j, b).wait()
          s_copy(j, b).start()

          @pl.when(j + 2 < nch)
          def _():
            @pl.when(j >= 2)
            def _():
              s_copy(j - 2, (b + 2) % NBUF).wait()
            g_copy(j + 2, (b + 2) % NBUF).start()

    s_copy(nch - 1, (nch - 1) % NBUF).wait()
    s_copy(nch - 2, (nch - 2) % NBUF).wait()

  return k(table, idx3d)


def _dotT(a, b):
  return lax.dot_general(a, b, (((0,), (0,)), ((), ())),
                         preferred_element_type=jnp.float32)


def _tc_body(g_ref, w1_ref, w2_ref, lp_ref, mol_ref, tgt_ref, cat_ref,
             gam_ref, bet_ref, out_ref):
  bb = g_ref.shape[0]
  w1 = w1_ref[...]
  w2 = w2_ref[...]
  tt = w1 & 15
  scale = (1.0 + mol_ref[...] * (tt == FEAT_ID).astype(jnp.float32)
           + tgt_ref[...] * (tt == TGT_ID).astype(jnp.float32))
  p0 = w2 & 0xFFFF
  p1 = w2 >> 16
  cat = cat_ref[...].astype(jnp.bfloat16)
  gam = gam_ref[...]
  bet = bet_ref[...]
  iota16 = lax.broadcasted_iota(jnp.int32, (16, L), 0)
  iota_l = lax.broadcasted_iota(jnp.int32, (L, L), 0)
  ones_d = jnp.ones((1, D), jnp.bfloat16)

  for j in range(bb):
    w1j = w1[j:j + 1]
    mt = jnp.concatenate(
        [iota16 == ((w1j >> (4 * t)) & 15) for t in range(8)],
        axis=0).astype(jnp.bfloat16)
    small = _dotT(mt, cat)
    scale_mat = _dotT(scale[j:j + 1].astype(jnp.bfloat16), ones_d)
    dense = g_ref[j] * scale_mat + small

    lp = lp_ref[j].astype(jnp.bfloat16)
    q0 = _dotT((iota_l == p0[j:j + 1]).astype(jnp.bfloat16), lp)
    q1 = _dotT((iota_l == p1[j:j + 1]).astype(jnp.bfloat16), lp)

    emb = jnp.concatenate([dense, q0, q1], axis=-1)
    mean = jnp.mean(emb, axis=-1, keepdims=True)
    var = jnp.mean(emb * emb, axis=-1, keepdims=True) - mean * mean
    inv = lax.rsqrt(var + EPS)
    out_ref[j] = (emb - mean) * inv * gam + bet


BB = 8
GC = B // BB


def kernel(input_ids, token_type_ids, pos_embed_ids, lp_embeds, atom_props,
           bond_props, mol_features, target_values, emb_table, type_table,
           in_ring_table, charge_table, hybrid_table, chir_table,
           aromatic_table, conj_table, stereo_table, ln_gamma, ln_beta):
  ids_flat = input_ids.reshape(N).astype(jnp.int32)
  g = _sc_gather(emb_table, ids_flat, N).reshape(B, L, D)

  cat = jnp.concatenate([
      jnp.pad(t, ((0, 16 - t.shape[0]), (0, 0)))
      for t in (type_table, in_ring_table, charge_table, hybrid_table,
                chir_table, aromatic_table, conj_table, stereo_table)],
      axis=0)
  ap = atom_props.astype(jnp.int32)
  bp = bond_props.astype(jnp.int32)
  w1 = (token_type_ids.astype(jnp.int32)
        | (ap[..., 0] << 4) | (ap[..., 1] << 8)
        | (ap[..., 2] << 12) | (ap[..., 3] << 16)
        | (bp[..., 0] << 20) | (bp[..., 1] << 24) | (bp[..., 2] << 28))
  pe = pos_embed_ids.astype(jnp.int32)
  w2 = pe[..., 0] | (pe[..., 1] << 16)
  gam2 = ln_gamma.reshape(1, H)
  bet2 = ln_beta.reshape(1, H)

  return pl.pallas_call(
      _tc_body,
      grid=(GC,),
      in_specs=[
          pl.BlockSpec((BB, L, D), lambda i: (i, 0, 0)),
          pl.BlockSpec((BB, L), lambda i: (i, 0)),
          pl.BlockSpec((BB, L), lambda i: (i, 0)),
          pl.BlockSpec((BB, L, LP), lambda i: (i, 0, 0)),
          pl.BlockSpec((BB, L), lambda i: (i, 0)),
          pl.BlockSpec((BB, L), lambda i: (i, 0)),
          pl.BlockSpec((128, D), lambda i: (0, 0)),
          pl.BlockSpec((1, H), lambda i: (0, 0)),
          pl.BlockSpec((1, H), lambda i: (0, 0)),
      ],
      out_specs=pl.BlockSpec((BB, L, H), lambda i: (i, 0, 0)),
      out_shape=jax.ShapeDtypeStruct((B, L, H), jnp.float32),
  )(g, w1, w2, lp_embeds, mol_features, target_values, cat, gam2, bet2)

# --- scband reference (transcript-rebuilt; emitter-appended) ---
"""Pipeline reference for scband-mol-tembeddings-50800873177193 (READ-ONLY COPY).

The authoritative reference and input builder live on the scoring server;
editing this copy changes nothing except your own understanding.
"""

import jax, jax.numpy as jnp
import numpy as np

B, L, D, K, LP = 1024, 200, 128, 2, 64
H = D + K * LP  # 256
VOCAB = 100000
NTYPE = 8
FEAT_ID, TGT_ID = 3, 4
EPS = 1e-12


def _zero_row0(t):
    return t.at[0].set(0.0)


def setup_inputs(seed: int = 0) -> dict:
    key = jax.random.key(seed)
    ks = jax.random.split(key, 20)
    inp = {}
    inp["input_ids"] = jax.random.randint(ks[0], (B, L), 0, VOCAB)
    inp["token_type_ids"] = jax.random.randint(ks[1], (B, L), 0, NTYPE)
    inp["pos_embed_ids"] = jax.random.randint(ks[2], (B, L, K), 0, L)
    inp["lp_embeds"] = jax.random.normal(ks[3], (B, L, LP), dtype=jnp.float32)
    inp["atom_props"] = jax.random.randint(ks[4], (B, L, 4), 0, 3)
    inp["bond_props"] = jax.random.randint(ks[5], (B, L, 3), 0, 3)
    inp["mol_features"] = jax.random.uniform(ks[6], (B, L), dtype=jnp.float32)
    inp["target_values"] = jax.random.uniform(ks[7], (B, L), dtype=jnp.float32)
    # learned parameters (padding_idx=0 rows zeroed, matching nn.Embedding padding_idx)
    inp["emb_table"] = _zero_row0(jax.random.normal(ks[8], (VOCAB, D), dtype=jnp.float32) * 0.02)
    inp["type_table"] = jax.random.normal(ks[9], (NTYPE, D), dtype=jnp.float32) * 0.02
    inp["in_ring_table"] = _zero_row0(jax.random.normal(ks[10], (3, D), dtype=jnp.float32) * 0.02)
    inp["charge_table"] = _zero_row0(jax.random.normal(ks[11], (4, D), dtype=jnp.float32) * 0.02)
    inp["hybrid_table"] = _zero_row0(jax.random.normal(ks[12], (9, D), dtype=jnp.float32) * 0.02)
    inp["chir_table"] = _zero_row0(jax.random.normal(ks[13], (5, D), dtype=jnp.float32) * 0.02)
    inp["aromatic_table"] = _zero_row0(jax.random.normal(ks[14], (3, D), dtype=jnp.float32) * 0.02)
    inp["conj_table"] = _zero_row0(jax.random.normal(ks[15], (3, D), dtype=jnp.float32) * 0.02)
    inp["stereo_table"] = _zero_row0(jax.random.normal(ks[16], (7, D), dtype=jnp.float32) * 0.02)
    inp["ln_gamma"] = jnp.ones((H,), dtype=jnp.float32)
    inp["ln_beta"] = jnp.zeros((H,), dtype=jnp.float32)
    return inp


def reference(input_ids, token_type_ids, pos_embed_ids, lp_embeds, atom_props,
              bond_props, mol_features, target_values, emb_table, type_table,
              in_ring_table, charge_table, hybrid_table, chir_table,
              aromatic_table, conj_table, stereo_table, ln_gamma, ln_beta):
    # PositionEmbedder (torch.no_grad, eval mode: no random sign flips)
    lp = jnp.nan_to_num(lp_embeds, nan=0.0)
    lp = jax.lax.stop_gradient(lp)
    pos = jax.vmap(lambda ids, e: e[ids])(pos_embed_ids, lp)  # [B, L, K, LP]
    pos_embeds = pos.reshape(B, L, K * LP)
    # type + token embeddings
    token_type_embeds = jnp.take(type_table, token_type_ids, axis=0)
    input_embeddings = jnp.take(emb_table, input_ids, axis=0)
    # MolFeatureEmbedder
    feat_mask = token_type_ids == FEAT_ID
    input_embeddings = input_embeddings + jnp.where(
        feat_mask[..., None], input_embeddings * mol_features[..., None], 0.0)
    # RegressionTargetEmbedder (scale_target is identity)
    tgt_mask = token_type_ids == TGT_ID
    input_embeddings = input_embeddings + jnp.where(
        tgt_mask[..., None], input_embeddings * target_values[..., None], 0.0)
    # AtomPropertyEmbedder: sparse-select == dense lookup with zeroed padding row 0
    atom_prop_emb = (jnp.take(in_ring_table, atom_props[..., 0], axis=0)
                     + jnp.take(charge_table, atom_props[..., 1], axis=0)
                     + jnp.take(hybrid_table, atom_props[..., 2], axis=0)
                     + jnp.take(chir_table, atom_props[..., 3], axis=0))
    # BondPropertyEmbedder
    bond_prop_emb = (jnp.take(aromatic_table, bond_props[..., 0], axis=0)
                     + jnp.take(conj_table, bond_props[..., 1], axis=0)
                     + jnp.take(stereo_table, bond_props[..., 2], axis=0))
    prop_embeddings = atom_prop_emb + bond_prop_emb
    embeddings = jnp.concatenate(
        [input_embeddings + token_type_embeds + prop_embeddings, pos_embeds], axis=-1)
    # LayerNorm (eval: dropout is identity)
    mean = jnp.mean(embeddings, axis=-1, keepdims=True)
    var = jnp.var(embeddings, axis=-1, keepdims=True)
    out = (embeddings - mean) / jnp.sqrt(var + EPS) * ln_gamma + ln_beta
    return out

if __name__ == "__main__":
    import jax
    _d = setup_inputs()
    print(jax.jit(kernel)(*tuple(_d.values())))

</pallas_src>

<mosaic_0001>
#map = affine_map<(d0, d1) -> (0, 0)>
#map1 = affine_map<(d0, d1) -> (0, 0, 0)>
module attributes {stable_mosaic.version = 14 : i64} {
  func.func @k(%arg0: i32, %arg1: i32, %arg2: memref<100000x128xf32, #tpu.memory_space<hbm>>, %arg3: memref<32x50x128xi32, #tpu.memory_space<hbm>>, %arg4: memref<204800x128xf32, #tpu.memory_space<hbm>>, %arg5: memref<50x128xi32, #tpu.memory_space<vmem>>, %arg6: memref<4x128x128xf32, #tpu.memory_space<vmem>>, %arg7: memref<!tpu.dma_semaphore, #tpu.memory_space<semaphore_mem>>, %arg8: memref<!tpu.dma_semaphore, #tpu.memory_space<semaphore_mem>>, %arg9: memref<!tpu.dma_semaphore, #tpu.memory_space<semaphore_mem>>, %arg10: memref<!tpu.dma_semaphore, #tpu.memory_space<semaphore_mem>>, %arg11: memref<!tpu.dma_semaphore, #tpu.memory_space<semaphore_mem>>, %arg12: memref<!tpu.dma_semaphore, #tpu.memory_space<semaphore_mem>>, %arg13: memref<!tpu.dma_semaphore, #tpu.memory_space<semaphore_mem>>, %arg14: memref<!tpu.dma_semaphore, #tpu.memory_space<semaphore_mem>>) attributes {dimension_semantics = [#tpu.dimension_semantics<core_parallel>, #tpu.dimension_semantics<subcore_parallel>], iteration_bounds = array<i64: 2, 16>, scalar_prefetch = 0 : i64, scratch_operands = 10 : i64, tpu.core_type = #tpu.core_type<sc_vector_subcore>, window_params = [{transform_indices = #map}, {transform_indices = #map1}, {transform_indices = #map}]} {
    %mul3A = arith.constant 2 : i32
    %mul3A_0 = arith.muli %arg1, %mul3A : i32
    %add3A = arith.addi %mul3A_0, %arg0 : i32
    %mul3A_1 = arith.constant 6400 : i32
    %mul3A_2 = arith.muli %add3A, %mul3A_1 : i32
    "tpu.region"() ({
      %run_scoped3A = tpu.sem_alloc : memref<!tpu.dma_semaphore, #tpu.memory_space<semaphore_mem>>
      %dma_start3A_59 = arith.constant 0 : i32
      %dma_start3A_60 = arith.constant 0 : i32
      %dma_start3A_61 = tpu.memref_slice %arg3[%add3A, %dma_start3A_59, %dma_start3A_60] : memref<32x50x128xi32, #tpu.memory_space<hbm>> -> memref<1x50x128xi32, #tpu.memory_space<hbm>>
      %dma_start3A_62 = tpu.memref_squeeze %dma_start3A_61 : memref<1x50x128xi32, #tpu.memory_space<hbm>> -> memref<50x128xi32, #tpu.memory_space<hbm>>
      %dma_start3A_63 = arith.constant 0 : i32
      %dma_start3A_64 = arith.constant 0 : i32
      %dma_start3A_65 = tpu.memref_slice %arg3[%add3A, %dma_start3A_63, %dma_start3A_64] : memref<32x50x128xi32, #tpu.memory_space<hbm>> -> memref<1x50x128xi32, #tpu.memory_space<hbm>>
      %dma_start3A_66 = tpu.memref_squeeze %dma_start3A_65 : memref<1x50x128xi32, #tpu.memory_space<hbm>> -> memref<50x128xi32, #tpu.memory_space<hbm>>
      tpu.enqueue_dma source(%dma_start3A_66 : memref<50x128xi32, #tpu.memory_space<hbm>>) target(%arg5 : memref<50x128xi32, #tpu.memory_space<vmem>>) target_semaphore(%run_scoped3A : memref<!tpu.dma_semaphore, #tpu.memory_space<semaphore_mem>>)
      %dma_wait3A_67 = arith.constant 0 : i32
      %dma_wait3A_68 = arith.constant 0 : i32
      %dma_wait3A_69 = tpu.memref_slice %arg3[%add3A, %dma_wait3A_67, %dma_wait3A_68] : memref<32x50x128xi32, #tpu.memory_space<hbm>> -> memref<1x50x128xi32, #tpu.memory_space<hbm>>
      %dma_wait3A_70 = tpu.memref_squeeze %dma_wait3A_69 : memref<1x50x128xi32, #tpu.memory_space<hbm>> -> memref<50x128xi32, #tpu.memory_space<hbm>>
      %dma_wait3A_71 = arith.constant 0 : i32
      %dma_wait3A_72 = arith.constant 0 : i32
      %dma_wait3A_73 = tpu.memref_slice %arg3[%add3A, %dma_wait3A_71, %dma_wait3A_72] : memref<32x50x128xi32, #tpu.memory_space<hbm>> -> memref<1x50x128xi32, #tpu.memory_space<hbm>>
      %dma_wait3A_74 = tpu.memref_squeeze %dma_wait3A_73 : memref<1x50x128xi32, #tpu.memory_space<hbm>> -> memref<50x128xi32, #tpu.memory_space<hbm>>
      tpu.wait_dma2 semaphore(%run_scoped3A : memref<!tpu.dma_semaphore, #tpu.memory_space<semaphore_mem>>) src(%dma_wait3A_74 : memref<50x128xi32, #tpu.memory_space<hbm>>) dst(%arg5 : memref<50x128xi32, #tpu.memory_space<vmem>>)
      tpu.yield
    }) : () -> ()
    %dma_start3A = arith.constant 0 : i32
    %dma_start3A_3 = arith.constant 0 : i32
    %dma_start3A_4 = arith.constant 0 : i32
    %dma_start3A_5 = arith.constant 0 : i32
    %dma_start3A_6 = tpu.memref_slice %arg6[%dma_start3A_3, %dma_start3A_4, %dma_start3A_5] : memref<4x128x128xf32, #tpu.memory_space<vmem>> -> memref<1x128x128xf32, #tpu.memory_space<vmem>>
    %dma_start3A_7 = tpu.memref_squeeze %dma_start3A_6 : memref<1x128x128xf32, #tpu.memory_space<vmem>> -> memref<128x128xf32, #tpu.memory_space<vmem>>
    %dma_start3A_8 = arith.constant 0 : i32
    %dma_start3A_9 = tpu.memref_slice %arg5[%dma_start3A, %dma_start3A_8] : memref<50x128xi32, #tpu.memory_space<vmem>> -> memref<1x128xi32, #tpu.memory_space<vmem>>
    %dma_start3A_10 = tpu.memref_squeeze %dma_start3A_9 : memref<1x128xi32, #tpu.memory_space<vmem>> -> memref<128xi32, #tpu.memory_space<vmem>>
    %dma_start3A_11 = arith.constant 0 : i32
    %dma_start3A_12 = arith.constant 0 : i32
    %dma_start3A_13 = tpu.memref_slice %arg2[%dma_start3A_11, %dma_start3A_12] : memref<100000x128xf32, #tpu.memory_space<hbm>> -> memref<100000x128xf32, #tpu.memory_space<hbm>>
    tpu.enqueue_indirect_dma source(%dma_start3A_13 : memref<100000x128xf32, #tpu.memory_space<hbm>>) target(%dma_start3A_7 : memref<128x128xf32, #tpu.memory_space<vmem>>) offsets(%dma_start3A_10 : memref<128xi32, #tpu.memory_space<vmem>>) semaphore(%arg7 : memref<!tpu.dma_semaphore, #tpu.memory_space<semaphore_mem>>)
    %dma_start3A_14 = arith.constant 1 : i32
    %dma_start3A_15 = arith.constant 1 : i32
    %dma_start3A_16 = arith.constant 0 : i32
    %dma_start3A_17 = arith.constant 0 : i32
    %dma_start3A_18 = tpu.memref_slice %arg6[%dma_start3A_15, %dma_start3A_16, %dma_start3A_17] : memref<4x128x128xf32, #tpu.memory_space<vmem>> -> memref<1x128x128xf32, #tpu.memory_space<vmem>>
    %dma_start3A_19 = tpu.memref_squeeze %dma_start3A_18 : memref<1x128x128xf32, #tpu.memory_space<vmem>> -> memref<128x128xf32, #tpu.memory_space<vmem>>
    %dma_start3A_20 = arith.constant 0 : i32
    %dma_start3A_21 = tpu.memref_slice %arg5[%dma_start3A_14, %dma_start3A_20] : memref<50x128xi32, #tpu.memory_space<vmem>> -> memref<1x128xi32, #tpu.memory_space<vmem>>
    %dma_start3A_22 = tpu.memref_squeeze %dma_start3A_21 : memref<1x128xi32, #tpu.memory_space<vmem>> -> memref<128xi32, #tpu.memory_space<vmem>>
    %dma_start3A_23 = arith.constant 0 : i32
    %dma_start3A_24 = arith.constant 0 : i32
    %dma_start3A_25 = tpu.memref_slice %arg2[%dma_start3A_23, %dma_start3A_24] : memref<100000x128xf32, #tpu.memory_space<hbm>> -> memref<100000x128xf32, #tpu.memory_space<hbm>>
    tpu.enqueue_indirect_dma source(%dma_start3A_25 : memref<100000x128xf32, #tpu.memory_space<hbm>>) target(%dma_start3A_19 : memref<128x128xf32, #tpu.memory_space<vmem>>) offsets(%dma_start3A_22 : memref<128xi32, #tpu.memory_space<vmem>>) semaphore(%arg8 : memref<!tpu.dma_semaphore, #tpu.memory_space<semaphore_mem>>)
    %scan3A = arith.constant 0 : i32
    %scan3A_26 = arith.constant 13 : i32
    %scan3A_27 = arith.addi %scan3A, %scan3A_26 : i32
    %scan3A_28 = arith.constant 1 : i32
    scf.for %scan3A_59 = %scan3A to %scan3A_27 step %scan3A_28  : i32 {
      %mul3A_60 = arith.constant 4 : i32
      %mul3A_61 = arith.muli %scan3A_59, %mul3A_60 : i32
      %add3A_62 = arith.constant 0 : i32
      %add3A_63 = arith.addi %add3A_62, %mul3A_61 : i32
      %add3A_64 = arith.constant 0 : i32
      %add3A_65 = arith.addi %add3A_63, %add3A_64 : i32
      %lt3A = arith.constant 50 : i32
      %lt3A_66 = arith.cmpi slt, %add3A_65, %lt3A : i32
      %convert_element_type3A = arith.extui %lt3A_66 : i1 to i32
      %cond3A = arith.constant 0 : i32
      %cond3A_67 = arith.cmpi ne, %convert_element_type3A, %cond3A : i32
      scf.if %cond3A_67 {
        %dma_wait3A_89 = arith.constant 0 : i32
        %dma_wait3A_90 = arith.constant 0 : i32
        %dma_wait3A_91 = arith.constant 0 : i32
        %dma_wait3A_92 = tpu.memref_slice %arg6[%dma_wait3A_89, %dma_wait3A_90, %dma_wait3A_91] : memref<4x128x128xf32, #tpu.memory_space<vmem>> -> memref<1x128x128xf32, #tpu.memory_space<vmem>>
        %dma_wait3A_93 = tpu.memref_squeeze %dma_wait3A_92 : memref<1x128x128xf32, #tpu.memory_space<vmem>> -> memref<128x128xf32, #tpu.memory_space<vmem>>
        %dma_wait3A_94 = arith.constant 0 : i32
        %dma_wait3A_95 = tpu.memref_slice %arg5[%add3A_65, %dma_wait3A_94] : memref<50x128xi32, #tpu.memory_space<vmem>> -> memref<1x128xi32, #tpu.memory_space<vmem>>
        %dma_wait3A_96 = tpu.memref_squeeze %dma_wait3A_95 : memref<1x128xi32, #tpu.memory_space<vmem>> -> memref<128xi32, #tpu.memory_space<vmem>>
        %dma_wait3A_97 = arith.constant 0 : i32
        %dma_wait3A_98 = arith.constant 0 : i32
        %dma_wait3A_99 = tpu.memref_slice %arg2[%dma_wait3A_97, %dma_wait3A_98] : memref<100000x128xf32, #tpu.memory_space<hbm>> -> memref<100000x128xf32, #tpu.memory_space<hbm>>
        tpu.wait_indirect_dma semaphore(%arg7 : memref<!tpu.dma_semaphore, #tpu.memory_space<semaphore_mem>>) src(%dma_wait3A_99 : memref<100000x128xf32, #tpu.memory_space<hbm>>) dst(%dma_wait3A_93 : memref<128x128xf32, #tpu.memory_space<vmem>>)
        %mul3A_100 = arith.constant 128 : i32
        %mul3A_101 = arith.muli %add3A_65, %mul3A_100 : i32
        %add3A_102 = arith.addi %mul3A_2, %mul3A_101 : i32
        %dma_start3A_103 = arith.constant 0 : i32
        %dma_start3A_104 = arith.constant 0 : i32
        %dma_start3A_105 = arith.constant 0 : i32
        %dma_start3A_106 = tpu.memref_slice %arg6[%dma_start3A_103, %dma_start3A_104, %dma_start3A_105] : memref<4x128x128xf32, #tpu.memory_space<vmem>> -> memref<1x128x128xf32, #tpu.memory_space<vmem>>
        %dma_start3A_107 = tpu.memref_squeeze %dma_start3A_106 : memref<1x128x128xf32, #tpu.memory_space<vmem>> -> memref<128x128xf32, #tpu.memory_space<vmem>>
        %dma_start3A_108 = arith.constant 0 : i32
        %dma_start3A_109 = tpu.memref_slice %arg4[%add3A_102, %dma_start3A_108] : memref<204800x128xf32, #tpu.memory_space<hbm>> -> memref<128x128xf32, #tpu.memory_space<hbm>>
        %dma_start3A_110 = arith.constant 0 : i32
        %dma_start3A_111 = tpu.memref_slice %arg4[%add3A_102, %dma_start3A_110] : memref<204800x128xf32, #tpu.memory_space<hbm>> -> memref<128x128xf32, #tpu.memory_space<hbm>>
        %dma_start3A_112 = arith.constant 0 : i32
        %dma_start3A_113 = arith.constant 0 : i32
        %dma_start3A_114 = tpu.memref_slice %arg6[%dma_start3A_103, %dma_start3A_112, %dma_start3A_113] : memref<4x128x128xf32, #tpu.memory_space<vmem>> -> memref<1x128x128xf32, #tpu.memory_space<vmem>>
        %dma_start3A_115 = tpu.memref_squeeze %dma_start3A_114 : memref<1x128x128xf32, #tpu.memory_space<vmem>> -> memref<128x128xf32, #tpu.memory_space<vmem>>
        tpu.enqueue_dma source(%dma_start3A_115 : memref<128x128xf32, #tpu.memory_space<vmem>>) target(%dma_start3A_111 : memref<128x128xf32, #tpu.memory_space<hbm>>) target_semaphore(%arg11 : memref<!tpu.dma_semaphore, #tpu.memory_space<semaphore_mem>>)
        %add3A_116 = arith.constant 2 : i32
        %add3A_117 = arith.addi %add3A_65, %add3A_116 : i32
        %lt3A_118 = arith.constant 50 : i32
        %lt3A_119 = arith.cmpi slt, %add3A_117, %lt3A_118 : i32
        %convert_element_type3A_120 = arith.extui %lt3A_119 : i1 to i32
        %cond3A_121 = arith.constant 0 : i32
        %cond3A_122 = arith.cmpi ne, %convert_element_type3A_120, %cond3A_121 : i32
        scf.if %cond3A_122 {
          %ge3A = arith.constant 2 : i32
          %ge3A_123 = arith.cmpi sge, %add3A_65, %ge3A : i32
          %convert_element_type3A_124 = arith.extui %ge3A_123 : i1 to i32
          %cond3A_125 = arith.constant 0 : i32
          %cond3A_126 = arith.cmpi ne, %convert_element_type3A_124, %cond3A_125 : i32
          scf.if %cond3A_126 {
            %sub3A = arith.constant 2 : i32
            %sub3A_140 = arith.subi %add3A_65, %sub3A : i32
            %mul3A_141 = arith.constant 128 : i32
            %mul3A_142 = arith.muli %sub3A_140, %mul3A_141 : i32
            %add3A_143 = arith.addi %mul3A_2, %mul3A_142 : i32
            %dma_wait3A_144 = arith.constant 2 : i32
            %dma_wait3A_145 = arith.constant 0 : i32
            %dma_wait3A_146 = arith.constant 0 : i32
            %dma_wait3A_147 = tpu.memref_slice %arg6[%dma_wait3A_144, %dma_wait3A_145, %dma_wait3A_146] : memref<4x128x128xf32, #tpu.memory_space<vmem>> -> memref<1x128x128xf32, #tpu.memory_space<vmem>>
            %dma_wait3A_148 = tpu.memref_squeeze %dma_wait3A_147 : memref<1x128x128xf32, #tpu.memory_space<vmem>> -> memref<128x128xf32, #tpu.memory_space<vmem>>
            %dma_wait3A_149 = arith.constant 0 : i32
            %dma_wait3A_150 = tpu.memref_slice %arg4[%add3A_143, %dma_wait3A_149] : memref<204800x128xf32, #tpu.memory_space<hbm>> -> memref<128x128xf32, #tpu.memory_space<hbm>>
            %dma_wait3A_151 = arith.constant 0 : i32
            %dma_wait3A_152 = tpu.memref_slice %arg4[%add3A_143, %dma_wait3A_151] : memref<204800x128xf32, #tpu.memory_space<hbm>> -> memref<128x128xf32, #tpu.memory_space<hbm>>
            %dma_wait3A_153 = arith.constant 0 : i32
            %dma_wait3A_154 = arith.constant 0 : i32
            %dma_wait3A_155 = tpu.memref_slice %arg6[%dma_wait3A_144, %dma_wait3A_153, %dma_wait3A_154] : memref<4x128x128xf32, #tpu.memory_space<vmem>> -> memref<1x128x128xf32, #tpu.memory_space<vmem>>
            %dma_wait3A_156 = tpu.memref_squeeze %dma_wait3A_155 : memref<1x128x128xf32, #tpu.memory_space<vmem>> -> memref<128x128xf32, #tpu.memory_space<vmem>>
            tpu.wait_dma2 semaphore(%arg13 : memref<!tpu.dma_semaphore, #tpu.memory_space<semaphore_mem>>) src(%dma_wait3A_156 : memref<128x128xf32, #tpu.memory_space<vmem>>) dst(%dma_wait3A_152 : memref<128x128xf32, #tpu.memory_space<hbm>>)
          } else {
          }
          %add3A_127 = arith.constant 2 : i32
          %add3A_128 = arith.addi %add3A_65, %add3A_127 : i32
          %dma_start3A_129 = arith.constant 2 : i32
          %dma_start3A_130 = arith.constant 0 : i32
          %dma_start3A_131 = arith.constant 0 : i32
          %dma_start3A_132 = tpu.memref_slice %arg6[%dma_start3A_129, %dma_start3A_130, %dma_start3A_131] : memref<4x128x128xf32, #tpu.memory_space<vmem>> -> memref<1x128x128xf32, #tpu.memory_space<vmem>>
          %dma_start3A_133 = tpu.memref_squeeze %dma_start3A_132 : memref<1x128x128xf32, #tpu.memory_space<vmem>> -> memref<128x128xf32, #tpu.memory_space<vmem>>
          %dma_start3A_134 = arith.constant 0 : i32
          %dma_start3A_135 = tpu.memref_slice %arg5[%add3A_128, %dma_start3A_134] : memref<50x128xi32, #tpu.memory_space<vmem>> -> memref<1x128xi32, #tpu.memory_space<vmem>>
          %dma_start3A_136 = tpu.memref_squeeze %dma_start3A_135 : memref<1x128xi32, #tpu.memory_space<vmem>> -> memref<128xi32, #tpu.memory_space<vmem>>
          %dma_start3A_137 = arith.constant 0 : i32
          %dma_start3A_138 = arith.constant 0 : i32
          %dma_start3A_139 = tpu.memref_slice %arg2[%dma_start3A_137, %dma_start3A_138] : memref<100000x128xf32, #tpu.memory_space<hbm>> -> memref<100000x128xf32, #tpu.memory_space<hbm>>
          tpu.enqueue_indirect_dma source(%dma_start3A_139 : memref<100000x128xf32, #tpu.memory_space<hbm>>) target(%dma_start3A_133 : memref<128x128xf32, #tpu.memory_space<vmem>>) offsets(%dma_start3A_136 : memref<128xi32, #tpu.memory_space<vmem>>) semaphore(%arg9 : memref<!tpu.dma_semaphore, #tpu.memory_space<semaphore_mem>>)
        } else {
        }
      } else {
      }
      %add3A_68 = arith.constant 1 : i32
      %add3A_69 = arith.addi %add3A_63, %add3A_68 : i32
      %lt3A_70 = arith.constant 50 : i32
      %lt3A_71 = arith.cmpi slt, %add3A_69, %lt3A_70 : i32
      %convert_element_type3A_72 = arith.extui %lt3A_71 : i1 to i32
      %cond3A_73 = arith.constant 0 : i32
      %cond3A_74 = arith.cmpi ne, %convert_element_type3A_72, %cond3A_73 : i32
      scf.if %cond3A_74 {
        %dma_wait3A_89 = arith.constant 1 : i32
        %dma_wait3A_90 = arith.constant 0 : i32
        %dma_wait3A_91 = arith.constant 0 : i32
        %dma_wait3A_92 = tpu.memref_slice %arg6[%dma_wait3A_89, %dma_wait3A_90, %dma_wait3A_91] : memref<4x128x128xf32, #tpu.memory_space<vmem>> -> memref<1x128x128xf32, #tpu.memory_space<vmem>>
        %dma_wait3A_93 = tpu.memref_squeeze %dma_wait3A_92 : memref<1x128x128xf32, #tpu.memory_space<vmem>> -> memref<128x128xf32, #tpu.memory_space<vmem>>
        %dma_wait3A_94 = arith.constant 0 : i32
        %dma_wait3A_95 = tpu.memref_slice %arg5[%add3A_69, %dma_wait3A_94] : memref<50x128xi32, #tpu.memory_space<vmem>> -> memref<1x128xi32, #tpu.memory_space<vmem>>
        %dma_wait3A_96 = tpu.memref_squeeze %dma_wait3A_95 : memref<1x128xi32, #tpu.memory_space<vmem>> -> memref<128xi32, #tpu.memory_space<vmem>>
        %dma_wait3A_97 = arith.constant 0 : i32
        %dma_wait3A_98 = arith.constant 0 : i32
        %dma_wait3A_99 = tpu.memref_slice %arg2[%dma_wait3A_97, %dma_wait3A_98] : memref<100000x128xf32, #tpu.memory_space<hbm>> -> memref<100000x128xf32, #tpu.memory_space<hbm>>
        tpu.wait_indirect_dma semaphore(%arg8 : memref<!tpu.dma_semaphore, #tpu.memory_space<semaphore_mem>>) src(%dma_wait3A_99 : memref<100000x128xf32, #tpu.memory_space<hbm>>) dst(%dma_wait3A_93 : memref<128x128xf32, #tpu.memory_space<vmem>>)
        %mul3A_100 = arith.constant 128 : i32
        %mul3A_101 = arith.muli %add3A_69, %mul3A_100 : i32
        %add3A_102 = arith.addi %mul3A_2, %mul3A_101 : i32
        %dma_start3A_103 = arith.constant 1 : i32
        %dma_start3A_104 = arith.constant 0 : i32
        %dma_start3A_105 = arith.constant 0 : i32
        %dma_start3A_106 = tpu.memref_slice %arg6[%dma_start3A_103, %dma_start3A_104, %dma_start3A_105] : memref<4x128x128xf32, #tpu.memory_space<vmem>> -> memref<1x128x128xf32, #tpu.memory_space<vmem>>
        %dma_start3A_107 = tpu.memref_squeeze %dma_start3A_106 : memref<1x128x128xf32, #tpu.memory_space<vmem>> -> memref<128x128xf32, #tpu.memory_space<vmem>>
        %dma_start3A_108 = arith.constant 0 : i32
        %dma_start3A_109 = tpu.memref_slice %arg4[%add3A_102, %dma_start3A_108] : memref<204800x128xf32, #tpu.memory_space<hbm>> -> memref<128x128xf32, #tpu.memory_space<hbm>>
        %dma_start3A_110 = arith.constant 0 : i32
        %dma_start3A_111 = tpu.memref_slice %arg4[%add3A_102, %dma_start3A_110] : memref<204800x128xf32, #tpu.memory_space<hbm>> -> memref<128x128xf32, #tpu.memory_space<hbm>>
        %dma_start3A_112 = arith.constant 0 : i32
        %dma_start3A_113 = arith.constant 0 : i32
        %dma_start3A_114 = tpu.memref_slice %arg6[%dma_start3A_103, %dma_start3A_112, %dma_start3A_113] : memref<4x128x128xf32, #tpu.memory_space<vmem>> -> memref<1x128x128xf32, #tpu.memory_space<vmem>>
        %dma_start3A_115 = tpu.memref_squeeze %dma_start3A_114 : memref<1x128x128xf32, #tpu.memory_space<vmem>> -> memref<128x128xf32, #tpu.memory_space<vmem>>
        tpu.enqueue_dma source(%dma_start3A_115 : memref<128x128xf32, #tpu.memory_space<vmem>>) target(%dma_start3A_111 : memref<128x128xf32, #tpu.memory_space<hbm>>) target_semaphore(%arg12 : memref<!tpu.dma_semaphore, #tpu.memory_space<semaphore_mem>>)
        %add3A_116 = arith.constant 2 : i32
        %add3A_117 = arith.addi %add3A_69, %add3A_116 : i32
        %lt3A_118 = arith.constant 50 : i32
        %lt3A_119 = arith.cmpi slt, %add3A_117, %lt3A_118 : i32
        %convert_element_type3A_120 = arith.extui %lt3A_119 : i1 to i32
        %cond3A_121 = arith.constant 0 : i32
        %cond3A_122 = arith.cmpi ne, %convert_element_type3A_120, %cond3A_121 : i32
        scf.if %cond3A_122 {
          %ge3A = arith.constant 2 : i32
          %ge3A_123 = arith.cmpi sge, %add3A_69, %ge3A : i32
          %convert_element_type3A_124 = arith.extui %ge3A_123 : i1 to i32
          %cond3A_125 = arith.constant 0 : i32
          %cond3A_126 = arith.cmpi ne, %convert_element_type3A_124, %cond3A_125 : i32
          scf.if %cond3A_126 {
            %sub3A = arith.constant 2 : i32
            %sub3A_140 = arith.subi %add3A_69, %sub3A : i32
            %mul3A_141 = arith.constant 128 : i32
            %mul3A_142 = arith.muli %sub3A_140, %mul3A_141 : i32
            %add3A_143 = arith.addi %mul3A_2, %mul3A_142 : i32
            %dma_wait3A_144 = arith.constant 3 : i32
            %dma_wait3A_145 = arith.constant 0 : i32
            %dma_wait3A_146 = arith.constant 0 : i32
            %dma_wait3A_147 = tpu.memref_slice %arg6[%dma_wait3A_144, %dma_wait3A_145, %dma_wait3A_146] : memref<4x128x128xf32, #tpu.memory_space<vmem>> -> memref<1x128x128xf32, #tpu.memory_space<vmem>>
            %dma_wait3A_148 = tpu.memref_squeeze %dma_wait3A_147 : memref<1x128x128xf32, #tpu.memory_space<vmem>> -> memref<128x128xf32, #tpu.memory_space<vmem>>
            %dma_wait3A_149 = arith.constant 0 : i32
            %dma_wait3A_150 = tpu.memref_slice %arg4[%add3A_143, %dma_wait3A_149] : memref<204800x128xf32, #tpu.memory_space<hbm>> -> memref<128x128xf32, #tpu.memory_space<hbm>>
            %dma_wait3A_151 = arith.constant 0 : i32
            %dma_wait3A_152 = tpu.memref_slice %arg4[%add3A_143, %dma_wait3A_151] : memref<204800x128xf32, #tpu.memory_space<hbm>> -> memref<128x128xf32, #tpu.memory_space<hbm>>
            %dma_wait3A_153 = arith.constant 0 : i32
            %dma_wait3A_154 = arith.constant 0 : i32
            %dma_wait3A_155 = tpu.memref_slice %arg6[%dma_wait3A_144, %dma_wait3A_153, %dma_wait3A_154] : memref<4x128x128xf32, #tpu.memory_space<vmem>> -> memref<1x128x128xf32, #tpu.memory_space<vmem>>
            %dma_wait3A_156 = tpu.memref_squeeze %dma_wait3A_155 : memref<1x128x128xf32, #tpu.memory_space<vmem>> -> memref<128x128xf32, #tpu.memory_space<vmem>>
            tpu.wait_dma2 semaphore(%arg14 : memref<!tpu.dma_semaphore, #tpu.memory_space<semaphore_mem>>) src(%dma_wait3A_156 : memref<128x128xf32, #tpu.memory_space<vmem>>) dst(%dma_wait3A_152 : memref<128x128xf32, #tpu.memory_space<hbm>>)
          } else {
          }
          %add3A_127 = arith.constant 2 : i32
          %add3A_128 = arith.addi %add3A_69, %add3A_127 : i32
          %dma_start3A_129 = arith.constant 3 : i32
          %dma_start3A_130 = arith.constant 0 : i32
          %dma_start3A_131 = arith.constant 0 : i32
          %dma_start3A_132 = tpu.memref_slice %arg6[%dma_start3A_129, %dma_start3A_130, %dma_start3A_131] : memref<4x128x128xf32, #tpu.memory_space<vmem>> -> memref<1x128x128xf32, #tpu.memory_space<vmem>>
          %dma_start3A_133 = tpu.memref_squeeze %dma_start3A_132 : memref<1x128x128xf32, #tpu.memory_space<vmem>> -> memref<128x128xf32, #tpu.memory_space<vmem>>
          %dma_start3A_134 = arith.constant 0 : i32
          %dma_start3A_135 = tpu.memref_slice %arg5[%add3A_128, %dma_start3A_134] : memref<50x128xi32, #tpu.memory_space<vmem>> -> memref<1x128xi32, #tpu.memory_space<vmem>>
          %dma_start3A_136 = tpu.memref_squeeze %dma_start3A_135 : memref<1x128xi32, #tpu.memory_space<vmem>> -> memref<128xi32, #tpu.memory_space<vmem>>
          %dma_start3A_137 = arith.constant 0 : i32
          %dma_start3A_138 = arith.constant 0 : i32
          %dma_start3A_139 = tpu.memref_slice %arg2[%dma_start3A_137, %dma_start3A_138] : memref<100000x128xf32, #tpu.memory_space<hbm>> -> memref<100000x128xf32, #tpu.memory_space<hbm>>
          tpu.enqueue_indirect_dma source(%dma_start3A_139 : memref<100000x128xf32, #tpu.memory_space<hbm>>) target(%dma_start3A_133 : memref<128x128xf32, #tpu.memory_space<vmem>>) offsets(%dma_start3A_136 : memref<128xi32, #tpu.memory_space<vmem>>) semaphore(%arg10 : memref<!tpu.dma_semaphore, #tpu.memory_space<semaphore_mem>>)
        } else {
        }
      } else {
      }
      %add3A_75 = arith.constant 2 : i32
      %add3A_76 = arith.addi %add3A_63, %add3A_75 : i32
      %lt3A_77 = arith.constant 50 : i32
      %lt3A_78 = arith.cmpi slt, %add3A_76, %lt3A_77 : i32
      %convert_element_type3A_79 = arith.extui %lt3A_78 : i1 to i32
      %cond3A_80 = arith.constant 0 : i32
      %cond3A_81 = arith.cmpi ne, %convert_element_type3A_79, %cond3A_80 : i32
      scf.if %cond3A_81 {
        %dma_wait3A_89 = arith.constant 2 : i32
        %dma_wait3A_90 = arith.constant 0 : i32
        %dma_wait3A_91 = arith.constant 0 : i32
        %dma_wait3A_92 = tpu.memref_slice %arg6[%dma_wait3A_89, %dma_wait3A_90, %dma_wait3A_91] : memref<4x128x128xf32, #tpu.memory_space<vmem>> -> memref<1x128x128xf32, #tpu.memory_space<vmem>>
        %dma_wait3A_93 = tpu.memref_squeeze %dma_wait3A_92 : memref<1x128x128xf32, #tpu.memory_space<vmem>> -> memref<128x128xf32, #tpu.memory_space<vmem>>
        %dma_wait3A_94 = arith.constant 0 : i32
        %dma_wait3A_95 = tpu.memref_slice %arg5[%add3A_76, %dma_wait3A_94] : memref<50x128xi32, #tpu.memory_space<vmem>> -> memref<1x128xi32, #tpu.memory_space<vmem>>
        %dma_wait3A_96 = tpu.memref_squeeze %dma_wait3A_95 : memref<1x128xi32, #tpu.memory_space<vmem>> -> memref<128xi32, #tpu.memory_space<vmem>>
        %dma_wait3A_97 = arith.constant 0 : i32
        %dma_wait3A_98 = arith.constant 0 : i32
        %dma_wait3A_99 = tpu.memref_slice %arg2[%dma_wait3A_97, %dma_wait3A_98] : memref<100000x128xf32, #tpu.memory_space<hbm>> -> memref<100000x128xf32, #tpu.memory_space<hbm>>
        tpu.wait_indirect_dma semaphore(%arg9 : memref<!tpu.dma_semaphore, #tpu.memory_space<semaphore_mem>>) src(%dma_wait3A_99 : memref<100000x128xf32, #tpu.memory_space<hbm>>) dst(%dma_wait3A_93 : memref<128x128xf32, #tpu.memory_space<vmem>>)
        %mul3A_100 = arith.constant 128 : i32
        %mul3A_101 = arith.muli %add3A_76, %mul3A_100 : i32
        %add3A_102 = arith.addi %mul3A_2, %mul3A_101 : i32
        %dma_start3A_103 = arith.constant 2 : i32
        %dma_start3A_104 = arith.constant 0 : i32
        %dma_start3A_105 = arith.constant 0 : i32
        %dma_start3A_106 = tpu.memref_slice %arg6[%dma_start3A_103, %dma_start3A_104, %dma_start3A_105] : memref<4x128x128xf32, #tpu.memory_space<vmem>> -> memref<1x128x128xf32, #tpu.memory_space<vmem>>
        %dma_start3A_107 = tpu.memref_squeeze %dma_start3A_106 : memref<1x128x128xf32, #tpu.memory_space<vmem>> -> memref<128x128xf32, #tpu.memory_space<vmem>>
        %dma_start3A_108 = arith.constant 0 : i32
        %dma_start3A_109 = tpu.memref_slice %arg4[%add3A_102, %dma_start3A_108] : memref<204800x128xf32, #tpu.memory_space<hbm>> -> memref<128x128xf32, #tpu.memory_space<hbm>>
        %dma_start3A_110 = arith.constant 0 : i32
        %dma_start3A_111 = tpu.memref_slice %arg4[%add3A_102, %dma_start3A_110] : memref<204800x128xf32, #tpu.memory_space<hbm>> -> memref<128x128xf32, #tpu.memory_space<hbm>>
        %dma_start3A_112 = arith.constant 0 : i32
        %dma_start3A_113 = arith.constant 0 : i32
        %dma_start3A_114 = tpu.memref_slice %arg6[%dma_start3A_103, %dma_start3A_112, %dma_start3A_113] : memref<4x128x128xf32, #tpu.memory_space<vmem>> -> memref<1x128x128xf32, #tpu.memory_space<vmem>>
        %dma_start3A_115 = tpu.memref_squeeze %dma_start3A_114 : memref<1x128x128xf32, #tpu.memory_space<vmem>> -> memref<128x128xf32, #tpu.memory_space<vmem>>
        tpu.enqueue_dma source(%dma_start3A_115 : memref<128x128xf32, #tpu.memory_space<vmem>>) target(%dma_start3A_111 : memref<128x128xf32, #tpu.memory_space<hbm>>) target_semaphore(%arg13 : memref<!tpu.dma_semaphore, #tpu.memory_space<semaphore_mem>>)
        %add3A_116 = arith.constant 2 : i32
        %add3A_117 = arith.addi %add3A_76, %add3A_116 : i32
        %lt3A_118 = arith.constant 50 : i32
        %lt3A_119 = arith.cmpi slt, %add3A_117, %lt3A_118 : i32
        %convert_element_type3A_120 = arith.extui %lt3A_119 : i1 to i32
        %cond3A_121 = arith.constant 0 : i32
        %cond3A_122 = arith.cmpi ne, %convert_element_type3A_120, %cond3A_121 : i32
        scf.if %cond3A_122 {
          %ge3A = arith.constant 2 : i32
          %ge3A_123 = arith.cmpi sge, %add3A_76, %ge3A : i32
          %convert_element_type3A_124 = arith.extui %ge3A_123 : i1 to i32
          %cond3A_125 = arith.constant 0 : i32
          %cond3A_126 = arith.cmpi ne, %convert_element_type3A_124, %cond3A_125 : i32
          scf.if %cond3A_126 {
            %sub3A = arith.constant 2 : i32
            %sub3A_140 = arith.subi %add3A_76, %sub3A : i32
            %mul3A_141 = arith.constant 128 : i32
            %mul3A_142 = arith.muli %sub3A_140, %mul3A_141 : i32
            %add3A_143 = arith.addi %mul3A_2, %mul3A_142 : i32
            %dma_wait3A_144 = arith.constant 0 : i32
            %dma_wait3A_145 = arith.constant 0 : i32
            %dma_wait3A_146 = arith.constant 0 : i32
            %dma_wait3A_147 = tpu.memref_slice %arg6[%dma_wait3A_144, %dma_wait3A_145, %dma_wait3A_146] : memref<4x128x128xf32, #tpu.memory_space<vmem>> -> memref<1x128x128xf32, #tpu.memory_space<vmem>>
            %dma_wait3A_148 = tpu.memref_squeeze %dma_wait3A_147 : memref<1x128x128xf32, #tpu.memory_space<vmem>> -> memref<128x128xf32, #tpu.memory_space<vmem>>
            %dma_wait3A_149 = arith.constant 0 : i32
            %dma_wait3A_150 = tpu.memref_slice %arg4[%add3A_143, %dma_wait3A_149] : memref<204800x128xf32, #tpu.memory_space<hbm>> -> memref<128x128xf32, #tpu.memory_space<hbm>>
            %dma_wait3A_151 = arith.constant 0 : i32
            %dma_wait3A_152 = tpu.memref_slice %arg4[%add3A_143, %dma_wait3A_151] : memref<204800x128xf32, #tpu.memory_space<hbm>> -> memref<128x128xf32, #tpu.memory_space<hbm>>
            %dma_wait3A_153 = arith.constant 0 : i32
            %dma_wait3A_154 = arith.constant 0 : i32
            %dma_wait3A_155 = tpu.memref_slice %arg6[%dma_wait3A_144, %dma_wait3A_153, %dma_wait3A_154] : memref<4x128x128xf32, #tpu.memory_space<vmem>> -> memref<1x128x128xf32, #tpu.memory_space<vmem>>
            %dma_wait3A_156 = tpu.memref_squeeze %dma_wait3A_155 : memref<1x128x128xf32, #tpu.memory_space<vmem>> -> memref<128x128xf32, #tpu.memory_space<vmem>>
            tpu.wait_dma2 semaphore(%arg11 : memref<!tpu.dma_semaphore, #tpu.memory_space<semaphore_mem>>) src(%dma_wait3A_156 : memref<128x128xf32, #tpu.memory_space<vmem>>) dst(%dma_wait3A_152 : memref<128x128xf32, #tpu.memory_space<hbm>>)
          } else {
          }
          %add3A_127 = arith.constant 2 : i32
          %add3A_128 = arith.addi %add3A_76, %add3A_127 : i32
          %dma_start3A_129 = arith.constant 0 : i32
          %dma_start3A_130 = arith.constant 0 : i32
          %dma_start3A_131 = arith.constant 0 : i32
          %dma_start3A_132 = tpu.memref_slice %arg6[%dma_start3A_129, %dma_start3A_130, %dma_start3A_131] : memref<4x128x128xf32, #tpu.memory_space<vmem>> -> memref<1x128x128xf32, #tpu.memory_space<vmem>>
          %dma_start3A_133 = tpu.memref_squeeze %dma_start3A_132 : memref<1x128x128xf32, #tpu.memory_space<vmem>> -> memref<128x128xf32, #tpu.memory_space<vmem>>
          %dma_start3A_134 = arith.constant 0 : i32
          %dma_start3A_135 = tpu.memref_slice %arg5[%add3A_128, %dma_start3A_134] : memref<50x128xi32, #tpu.memory_space<vmem>> -> memref<1x128xi32, #tpu.memory_space<vmem>>
          %dma_start3A_136 = tpu.memref_squeeze %dma_start3A_135 : memref<1x128xi32, #tpu.memory_space<vmem>> -> memref<128xi32, #tpu.memory_space<vmem>>
          %dma_start3A_137 = arith.constant 0 : i32
          %dma_start3A_138 = arith.constant 0 : i32
          %dma_start3A_139 = tpu.memref_slice %arg2[%dma_start3A_137, %dma_start3A_138] : memref<100000x128xf32, #tpu.memory_space<hbm>> -> memref<100000x128xf32, #tpu.memory_space<hbm>>
          tpu.enqueue_indirect_dma source(%dma_start3A_139 : memref<100000x128xf32, #tpu.memory_space<hbm>>) target(%dma_start3A_133 : memref<128x128xf32, #tpu.memory_space<vmem>>) offsets(%dma_start3A_136 : memref<128xi32, #tpu.memory_space<vmem>>) semaphore(%arg7 : memref<!tpu.dma_semaphore, #tpu.memory_space<semaphore_mem>>)
        } else {
        }
      } else {
      }
      %add3A_82 = arith.constant 3 : i32
      %add3A_83 = arith.addi %add3A_63, %add3A_82 : i32
      %lt3A_84 = arith.constant 50 : i32
      %lt3A_85 = arith.cmpi slt, %add3A_83, %lt3A_84 : i32
      %convert_element_type3A_86 = arith.extui %lt3A_85 : i1 to i32
      %cond3A_87 = arith.constant 0 : i32
      %cond3A_88 = arith.cmpi ne, %convert_element_type3A_86, %cond3A_87 : i32
      scf.if %cond3A_88 {
        %dma_wait3A_89 = arith.constant 3 : i32
        %dma_wait3A_90 = arith.constant 0 : i32
        %dma_wait3A_91 = arith.constant 0 : i32
        %dma_wait3A_92 = tpu.memref_slice %arg6[%dma_wait3A_89, %dma_wait3A_90, %dma_wait3A_91] : memref<4x128x128xf32, #tpu.memory_space<vmem>> -> memref<1x128x128xf32, #tpu.memory_space<vmem>>
        %dma_wait3A_93 = tpu.memref_squeeze %dma_wait3A_92 : memref<1x128x128xf32, #tpu.memory_space<vmem>> -> memref<128x128xf32, #tpu.memory_space<vmem>>
        %dma_wait3A_94 = arith.constant 0 : i32
        %dma_wait3A_95 = tpu.memref_slice %arg5[%add3A_83, %dma_wait3A_94] : memref<50x128xi32, #tpu.memory_space<vmem>> -> memref<1x128xi32, #tpu.memory_space<vmem>>
        %dma_wait3A_96 = tpu.memref_squeeze %dma_wait3A_95 : memref<1x128xi32, #tpu.memory_space<vmem>> -> memref<128xi32, #tpu.memory_space<vmem>>
        %dma_wait3A_97 = arith.constant 0 : i32
        %dma_wait3A_98 = arith.constant 0 : i32
        %dma_wait3A_99 = tpu.memref_slice %arg2[%dma_wait3A_97, %dma_wait3A_98] : memref<100000x128xf32, #tpu.memory_space<hbm>> -> memref<100000x128xf32, #tpu.memory_space<hbm>>
        tpu.wait_indirect_dma semaphore(%arg10 : memref<!tpu.dma_semaphore, #tpu.memory_space<semaphore_mem>>) src(%dma_wait3A_99 : memref<100000x128xf32, #tpu.memory_space<hbm>>) dst(%dma_wait3A_93 : memref<128x128xf32, #tpu.memory_space<vmem>>)
        %mul3A_100 = arith.constant 128 : i32
        %mul3A_101 = arith.muli %add3A_83, %mul3A_100 : i32
        %add3A_102 = arith.addi %mul3A_2, %mul3A_101 : i32
        %dma_start3A_103 = arith.constant 3 : i32
        %dma_start3A_104 = arith.constant 0 : i32
        %dma_start3A_105 = arith.constant 0 : i32
        %dma_start3A_106 = tpu.memref_slice %arg6[%dma_start3A_103, %dma_start3A_104, %dma_start3A_105] : memref<4x128x128xf32, #tpu.memory_space<vmem>> -> memref<1x128x128xf32, #tpu.memory_space<vmem>>
        %dma_start3A_107 = tpu.memref_squeeze %dma_start3A_106 : memref<1x128x128xf32, #tpu.memory_space<vmem>> -> memref<128x128xf32, #tpu.memory_space<vmem>>
        %dma_start3A_108 = arith.constant 0 : i32
        %dma_start3A_109 = tpu.memref_slice %arg4[%add3A_102, %dma_start3A_108] : memref<204800x128xf32, #tpu.memory_space<hbm>> -> memref<128x128xf32, #tpu.memory_space<hbm>>
        %dma_start3A_110 = arith.constant 0 : i32
        %dma_start3A_111 = tpu.memref_slice %arg4[%add3A_102, %dma_start3A_110] : memref<204800x128xf32, #tpu.memory_space<hbm>> -> memref<128x128xf32, #tpu.memory_space<hbm>>
        %dma_start3A_112 = arith.constant 0 : i32
        %dma_start3A_113 = arith.constant 0 : i32
        %dma_start3A_114 = tpu.memref_slice %arg6[%dma_start3A_103, %dma_start3A_112, %dma_start3A_113] : memref<4x128x128xf32, #tpu.memory_space<vmem>> -> memref<1x128x128xf32, #tpu.memory_space<vmem>>
        %dma_start3A_115 = tpu.memref_squeeze %dma_start3A_114 : memref<1x128x128xf32, #tpu.memory_space<vmem>> -> memref<128x128xf32, #tpu.memory_space<vmem>>
        tpu.enqueue_dma source(%dma_start3A_115 : memref<128x128xf32, #tpu.memory_space<vmem>>) target(%dma_start3A_111 : memref<128x128xf32, #tpu.memory_space<hbm>>) target_semaphore(%arg14 : memref<!tpu.dma_semaphore, #tpu.memory_space<semaphore_mem>>)
        %add3A_116 = arith.constant 2 : i32
        %add3A_117 = arith.addi %add3A_83, %add3A_116 : i32
        %lt3A_118 = arith.constant 50 : i32
        %lt3A_119 = arith.cmpi slt, %add3A_117, %lt3A_118 : i32
        %convert_element_type3A_120 = arith.extui %lt3A_119 : i1 to i32
        %cond3A_121 = arith.constant 0 : i32
        %cond3A_122 = arith.cmpi ne, %convert_element_type3A_120, %cond3A_121 : i32
        scf.if %cond3A_122 {
          %ge3A = arith.constant 2 : i32
          %ge3A_123 = arith.cmpi sge, %add3A_83, %ge3A : i32
          %convert_element_type3A_124 = arith.extui %ge3A_123 : i1 to i32
          %cond3A_125 = arith.constant 0 : i32
          %cond3A_126 = arith.cmpi ne, %convert_element_type3A_124, %cond3A_125 : i32
          scf.if %cond3A_126 {
            %sub3A = arith.constant 2 : i32
            %sub3A_140 = arith.subi %add3A_83, %sub3A : i32
            %mul3A_141 = arith.constant 128 : i32
            %mul3A_142 = arith.muli %sub3A_140, %mul3A_141 : i32
            %add3A_143 = arith.addi %mul3A_2, %mul3A_142 : i32
            %dma_wait3A_144 = arith.constant 1 : i32
            %dma_wait3A_145 = arith.constant 0 : i32
            %dma_wait3A_146 = arith.constant 0 : i32
            %dma_wait3A_147 = tpu.memref_slice %arg6[%dma_wait3A_144, %dma_wait3A_145, %dma_wait3A_146] : memref<4x128x128xf32, #tpu.memory_space<vmem>> -> memref<1x128x128xf32, #tpu.memory_space<vmem>>
            %dma_wait3A_148 = tpu.memref_squeeze %dma_wait3A_147 : memref<1x128x128xf32, #tpu.memory_space<vmem>> -> memref<128x128xf32, #tpu.memory_space<vmem>>
            %dma_wait3A_149 = arith.constant 0 : i32
            %dma_wait3A_150 = tpu.memref_slice %arg4[%add3A_143, %dma_wait3A_149] : memref<204800x128xf32, #tpu.memory_space<hbm>> -> memref<128x128xf32, #tpu.memory_space<hbm>>
            %dma_wait3A_151 = arith.constant 0 : i32
            %dma_wait3A_152 = tpu.memref_slice %arg4[%add3A_143, %dma_wait3A_151] : memref<204800x128xf32, #tpu.memory_space<hbm>> -> memref<128x128xf32, #tpu.memory_space<hbm>>
            %dma_wait3A_153 = arith.constant 0 : i32
            %dma_wait3A_154 = arith.constant 0 : i32
            %dma_wait3A_155 = tpu.memref_slice %arg6[%dma_wait3A_144, %dma_wait3A_153, %dma_wait3A_154] : memref<4x128x128xf32, #tpu.memory_space<vmem>> -> memref<1x128x128xf32, #tpu.memory_space<vmem>>
            %dma_wait3A_156 = tpu.memref_squeeze %dma_wait3A_155 : memref<1x128x128xf32, #tpu.memory_space<vmem>> -> memref<128x128xf32, #tpu.memory_space<vmem>>
            tpu.wait_dma2 semaphore(%arg12 : memref<!tpu.dma_semaphore, #tpu.memory_space<semaphore_mem>>) src(%dma_wait3A_156 : memref<128x128xf32, #tpu.memory_space<vmem>>) dst(%dma_wait3A_152 : memref<128x128xf32, #tpu.memory_space<hbm>>)
          } else {
          }
          %add3A_127 = arith.constant 2 : i32
          %add3A_128 = arith.addi %add3A_83, %add3A_127 : i32
          %dma_start3A_129 = arith.constant 1 : i32
          %dma_start3A_130 = arith.constant 0 : i32
          %dma_start3A_131 = arith.constant 0 : i32
          %dma_start3A_132 = tpu.memref_slice %arg6[%dma_start3A_129, %dma_start3A_130, %dma_start3A_131] : memref<4x128x128xf32, #tpu.memory_space<vmem>> -> memref<1x128x128xf32, #tpu.memory_space<vmem>>
          %dma_start3A_133 = tpu.memref_squeeze %dma_start3A_132 : memref<1x128x128xf32, #tpu.memory_space<vmem>> -> memref<128x128xf32, #tpu.memory_space<vmem>>
          %dma_start3A_134 = arith.constant 0 : i32
          %dma_start3A_135 = tpu.memref_slice %arg5[%add3A_128, %dma_start3A_134] : memref<50x128xi32, #tpu.memory_space<vmem>> -> memref<1x128xi32, #tpu.memory_space<vmem>>
          %dma_start3A_136 = tpu.memref_squeeze %dma_start3A_135 : memref<1x128xi32, #tpu.memory_space<vmem>> -> memref<128xi32, #tpu.memory_space<vmem>>
          %dma_start3A_137 = arith.constant 0 : i32
          %dma_start3A_138 = arith.constant 0 : i32
          %dma_start3A_139 = tpu.memref_slice %arg2[%dma_start3A_137, %dma_start3A_138] : memref<100000x128xf32, #tpu.memory_space<hbm>> -> memref<100000x128xf32, #tpu.memory_space<hbm>>
          tpu.enqueue_indirect_dma source(%dma_start3A_139 : memref<100000x128xf32, #tpu.memory_space<hbm>>) target(%dma_start3A_133 : memref<128x128xf32, #tpu.memory_space<vmem>>) offsets(%dma_start3A_136 : memref<128xi32, #tpu.memory_space<vmem>>) semaphore(%arg8 : memref<!tpu.dma_semaphore, #tpu.memory_space<semaphore_mem>>)
        } else {
        }
      } else {
      }
    }
    %scan3A_29 = arith.constant 13 : i32
    %add3A_30 = arith.constant 6272 : i32
    %add3A_31 = arith.addi %mul3A_2, %add3A_30 : i32
    %dma_wait3A = arith.constant 1 : i32
    %dma_wait3A_32 = arith.constant 0 : i32
    %dma_wait3A_33 = arith.constant 0 : i32
    %dma_wait3A_34 = tpu.memref_slice %arg6[%dma_wait3A, %dma_wait3A_32, %dma_wait3A_33] : memref<4x128x128xf32, #tpu.memory_space<vmem>> -> memref<1x128x128xf32, #tpu.memory_space<vmem>>
    %dma_wait3A_35 = tpu.memref_squeeze %dma_wait3A_34 : memref<1x128x128xf32, #tpu.memory_space<vmem>> -> memref<128x128xf32, #tpu.memory_space<vmem>>
    %dma_wait3A_36 = arith.constant 0 : i32
    %dma_wait3A_37 = tpu.memref_slice %arg4[%add3A_31, %dma_wait3A_36] : memref<204800x128xf32, #tpu.memory_space<hbm>> -> memref<128x128xf32, #tpu.memory_space<hbm>>
    %dma_wait3A_38 = arith.constant 0 : i32
    %dma_wait3A_39 = tpu.memref_slice %arg4[%add3A_31, %dma_wait3A_38] : memref<204800x128xf32, #tpu.memory_space<hbm>> -> memref<128x128xf32, #tpu.memory_space<hbm>>
    %dma_wait3A_40 = arith.constant 0 : i32
    %dma_wait3A_41 = arith.constant 0 : i32
    %dma_wait3A_42 = tpu.memref_slice %arg6[%dma_wait3A, %dma_wait3A_40, %dma_wait3A_41] : memref<4x128x128xf32, #tpu.memory_space<vmem>> -> memref<1x128x128xf32, #tpu.memory_space<vmem>>
    %dma_wait3A_43 = tpu.memref_squeeze %dma_wait3A_42 : memref<1x128x128xf32, #tpu.memory_space<vmem>> -> memref<128x128xf32, #tpu.memory_space<vmem>>
    tpu.wait_dma2 semaphore(%arg12 : memref<!tpu.dma_semaphore, #tpu.memory_space<semaphore_mem>>) src(%dma_wait3A_43 : memref<128x128xf32, #tpu.memory_space<vmem>>) dst(%dma_wait3A_39 : memref<128x128xf32, #tpu.memory_space<hbm>>)
    %add3A_44 = arith.constant 6144 : i32
    %add3A_45 = arith.addi %mul3A_2, %add3A_44 : i32
    %dma_wait3A_46 = arith.constant 0 : i32
    %dma_wait3A_47 = arith.constant 0 : i32
    %dma_wait3A_48 = arith.constant 0 : i32
    %dma_wait3A_49 = tpu.memref_slice %arg6[%dma_wait3A_46, %dma_wait3A_47, %dma_wait3A_48] : memref<4x128x128xf32, #tpu.memory_space<vmem>> -> memref<1x128x128xf32, #tpu.memory_space<vmem>>
    %dma_wait3A_50 = tpu.memref_squeeze %dma_wait3A_49 : memref<1x128x128xf32, #tpu.memory_space<vmem>> -> memref<128x128xf32, #tpu.memory_space<vmem>>
    %dma_wait3A_51 = arith.constant 0 : i32
    %dma_wait3A_52 = tpu.memref_slice %arg4[%add3A_45, %dma_wait3A_51] : memref<204800x128xf32, #tpu.memory_space<hbm>> -> memref<128x128xf32, #tpu.memory_space<hbm>>
    %dma_wait3A_53 = arith.constant 0 : i32
    %dma_wait3A_54 = tpu.memref_slice %arg4[%add3A_45, %dma_wait3A_53] : memref<204800x128xf32, #tpu.memory_space<hbm>> -> memref<128x128xf32, #tpu.memory_space<hbm>>
    %dma_wait3A_55 = arith.constant 0 : i32
    %dma_wait3A_56 = arith.constant 0 : i32
    %dma_wait3A_57 = tpu.memref_slice %arg6[%dma_wait3A_46, %dma_wait3A_55, %dma_wait3A_56] : memref<4x128x128xf32, #tpu.memory_space<vmem>> -> memref<1x128x128xf32, #tpu.memory_space<vmem>>
    %dma_wait3A_58 = tpu.memref_squeeze %dma_wait3A_57 : memref<1x128x128xf32, #tpu.memory_space<vmem>> -> memref<128x128xf32, #tpu.memory_space<vmem>>
    tpu.wait_dma2 semaphore(%arg11 : memref<!tpu.dma_semaphore, #tpu.memory_space<semaphore_mem>>) src(%dma_wait3A_58 : memref<128x128xf32, #tpu.memory_space<vmem>>) dst(%dma_wait3A_54 : memref<128x128xf32, #tpu.memory_space<hbm>>)
    return
  }
}

module attributes {stable_mosaic.version = 14 : i64} {
  func.func @_tc_body(%arg0: i32, %arg1: memref<8x200x128xf32, #tpu.memory_space<vmem>>, %arg2: memref<8x200xi32, #tpu.memory_space<vmem>>, %arg3: memref<8x200xi32, #tpu.memory_space<vmem>>, %arg4: memref<8x200x64xf32, #tpu.memory_space<vmem>>, %arg5: memref<8x200xf32, #tpu.memory_space<vmem>>, %arg6: memref<8x200xf32, #tpu.memory_space<vmem>>, %arg7: memref<128x128xf32, #tpu.memory_space<vmem>>, %arg8: memref<1x256xf32, #tpu.memory_space<vmem>>, %arg9: memref<1x256xf32, #tpu.memory_space<vmem>>, %arg10: memref<8x200x256xf32, #tpu.memory_space<vmem>>) attributes {dimension_semantics = [#tpu.dimension_semantics<arbitrary>], iteration_bounds = array<i64: 128>, scalar_prefetch = 0 : i64, scratch_operands = 0 : i64, tpu.core_type = #tpu.core_type<tc>, window_params = [{transform_indices = @transform_0, window_bounds = array<i64: 8, 200, 128>}, {transform_indices = @transform_1, window_bounds = array<i64: 8, 200>}, {transform_indices = @transform_2, window_bounds = array<i64: 8, 200>}, {transform_indices = @transform_3, window_bounds = array<i64: 8, 200, 64>}, {transform_indices = @transform_4, window_bounds = array<i64: 8, 200>}, {transform_indices = @transform_5, window_bounds = array<i64: 8, 200>}, {pipeline_mode = #tpu.pipeline_mode<synchronous>, transform_indices = @transform_6, window_bounds = array<i64: 128, 128>}, {pipeline_mode = #tpu.pipeline_mode<synchronous>, transform_indices = @transform_7, window_bounds = array<i64: 1, 256>}, {pipeline_mode = #tpu.pipeline_mode<synchronous>, transform_indices = @transform_8, window_bounds = array<i64: 1, 256>}, {transform_indices = @transform_9, window_bounds = array<i64: 8, 200, 256>}]} {
    %get3A = arith.constant 0 : index
    %get3A_0 = arith.constant 0 : index
    %get3A_1 = vector.load %arg2[%get3A, %get3A_0] : memref<8x200xi32, #tpu.memory_space<vmem>>, vector<8x200xi32>
    %get3A_2 = arith.constant 0 : index
    %get3A_3 = arith.constant 0 : index
    %get3A_4 = vector.load %arg3[%get3A_2, %get3A_3] : memref<8x200xi32, #tpu.memory_space<vmem>>, vector<8x200xi32>
    %and3A = arith.constant 15 : i32
    %and3A_5 = vector.broadcast %and3A : i32 to vector<8x200xi32>
    %and3A_6 = arith.andi %get3A_1, %and3A_5 : vector<8x200xi32>
    %get3A_7 = arith.constant 0 : index
    %get3A_8 = arith.constant 0 : index
    %get3A_9 = vector.load %arg5[%get3A_7, %get3A_8] : memref<8x200xf32, #tpu.memory_space<vmem>>, vector<8x200xf32>
    %eq3A = arith.constant 3 : i32
    %eq3A_10 = vector.broadcast %eq3A : i32 to vector<8x200xi32>
    %eq3A_11 = arith.cmpi eq, %and3A_6, %eq3A_10 : vector<8x200xi32>
    %convert_element_type3A = arith.extui %eq3A_11 : vector<8x200xi1> to vector<8x200xi32>
    %convert_element_type3A_12 = arith.sitofp %convert_element_type3A : vector<8x200xi32> to vector<8x200xf32>
    %mul3A = arith.mulf %get3A_9, %convert_element_type3A_12 : vector<8x200xf32>
    %add3A = arith.constant 1.000000e+00 : f32
    %add3A_13 = vector.broadcast %add3A : f32 to vector<8x200xf32>
    %add3A_14 = arith.addf %add3A_13, %mul3A : vector<8x200xf32>
    %get3A_15 = arith.constant 0 : index
    %get3A_16 = arith.constant 0 : index
    %get3A_17 = vector.load %arg6[%get3A_15, %get3A_16] : memref<8x200xf32, #tpu.memory_space<vmem>>, vector<8x200xf32>
    %eq3A_18 = arith.constant 4 : i32
    %eq3A_19 = vector.broadcast %eq3A_18 : i32 to vector<8x200xi32>
    %eq3A_20 = arith.cmpi eq, %and3A_6, %eq3A_19 : vector<8x200xi32>
    %convert_element_type3A_21 = arith.extui %eq3A_20 : vector<8x200xi1> to vector<8x200xi32>
    %convert_element_type3A_22 = arith.sitofp %convert_element_type3A_21 : vector<8x200xi32> to vector<8x200xf32>
    %mul3A_23 = arith.mulf %get3A_17, %convert_element_type3A_22 : vector<8x200xf32>
    %add3A_24 = arith.addf %add3A_14, %mul3A_23 : vector<8x200xf32>
    %and3A_25 = arith.constant 65535 : i32
    %and3A_26 = vector.broadcast %and3A_25 : i32 to vector<8x200xi32>
    %and3A_27 = arith.andi %get3A_4, %and3A_26 : vector<8x200xi32>
    %shift_right_arithmetic3A = arith.constant 16 : i32
    %shift_right_arithmetic3A_28 = vector.broadcast %shift_right_arithmetic3A : i32 to vector<8x200xi32>
    %shift_right_arithmetic3A_29 = arith.shrsi %get3A_4, %shift_right_arithmetic3A_28 : vector<8x200xi32>
    %get3A_30 = arith.constant 0 : index
    %get3A_31 = arith.constant 0 : index
    %get3A_32 = vector.load %arg7[%get3A_30, %get3A_31] : memref<128x128xf32, #tpu.memory_space<vmem>>, vector<128x128xf32>
    %convert_element_type3A_33 = arith.truncf %get3A_32 : vector<128x128xf32> to vector<128x128xbf16>
    %get3A_34 = arith.constant 0 : index
    %get3A_35 = arith.constant 0 : index
    %get3A_36 = vector.load %arg8[%get3A_34, %get3A_35] : memref<1x256xf32, #tpu.memory_space<vmem>>, vector<1x256xf32>
    %get3A_37 = arith.constant 0 : index
    %get3A_38 = arith.constant 0 : index
    %get3A_39 = vector.load %arg9[%get3A_37, %get3A_38] : memref<1x256xf32, #tpu.memory_space<vmem>>, vector<1x256xf32>
    %iota3A = tpu.iota {dimensions = array<i32: 0>} : vector<16x200xi32>
    %iota3A_40 = tpu.iota {dimensions = array<i32: 0>} : vector<200x200xi32>
    %broadcast_in_dim3A = arith.constant 1.000000e+00 : bf16
    %broadcast_in_dim3A_41 = vector.broadcast %broadcast_in_dim3A : bf16 to vector<1x128xbf16>
    %slice3A = vector.extract_strided_slice %get3A_1 {offsets = [0, 0], sizes = [1, 200], strides = [1, 1]} : vector<8x200xi32> to vector<1x200xi32>
    %shift_right_arithmetic3A_42 = arith.constant 0 : i32
    %shift_right_arithmetic3A_43 = vector.broadcast %shift_right_arithmetic3A_42 : i32 to vector<1x200xi32>
    %shift_right_arithmetic3A_44 = arith.shrsi %slice3A, %shift_right_arithmetic3A_43 : vector<1x200xi32>
    %and3A_45 = arith.constant 15 : i32
    %and3A_46 = vector.broadcast %and3A_45 : i32 to vector<1x200xi32>
    %and3A_47 = arith.andi %shift_right_arithmetic3A_44, %and3A_46 : vector<1x200xi32>
    %eq3A_48 = vector.broadcast %and3A_47 : vector<1x200xi32> to vector<16x200xi32>
    %eq3A_49 = arith.cmpi eq, %iota3A, %eq3A_48 : vector<16x200xi32>
    %shift_right_arithmetic3A_50 = arith.constant 4 : i32
    %shift_right_arithmetic3A_51 = vector.broadcast %shift_right_arithmetic3A_50 : i32 to vector<1x200xi32>
    %shift_right_arithmetic3A_52 = arith.shrsi %slice3A, %shift_right_arithmetic3A_51 : vector<1x200xi32>
    %and3A_53 = arith.constant 15 : i32
    %and3A_54 = vector.broadcast %and3A_53 : i32 to vector<1x200xi32>
    %and3A_55 = arith.andi %shift_right_arithmetic3A_52, %and3A_54 : vector<1x200xi32>
    %eq3A_56 = vector.broadcast %and3A_55 : vector<1x200xi32> to vector<16x200xi32>
    %eq3A_57 = arith.cmpi eq, %iota3A, %eq3A_56 : vector<16x200xi32>
    %shift_right_arithmetic3A_58 = arith.constant 8 : i32
    %shift_right_arithmetic3A_59 = vector.broadcast %shift_right_arithmetic3A_58 : i32 to vector<1x200xi32>
    %shift_right_arithmetic3A_60 = arith.shrsi %slice3A, %shift_right_arithmetic3A_59 : vector<1x200xi32>
    %and3A_61 = arith.constant 15 : i32
    %and3A_62 = vector.broadcast %and3A_61 : i32 to vector<1x200xi32>
    %and3A_63 = arith.andi %shift_right_arithmetic3A_60, %and3A_62 : vector<1x200xi32>
    %eq3A_64 = vector.broadcast %and3A_63 : vector<1x200xi32> to vector<16x200xi32>
    %eq3A_65 = arith.cmpi eq, %iota3A, %eq3A_64 : vector<16x200xi32>
    %shift_right_arithmetic3A_66 = arith.constant 12 : i32
    %shift_right_arithmetic3A_67 = vector.broadcast %shift_right_arithmetic3A_66 : i32 to vector<1x200xi32>
    %shift_right_arithmetic3A_68 = arith.shrsi %slice3A, %shift_right_arithmetic3A_67 : vector<1x200xi32>
    %and3A_69 = arith.constant 15 : i32
    %and3A_70 = vector.broadcast %and3A_69 : i32 to vector<1x200xi32>
    %and3A_71 = arith.andi %shift_right_arithmetic3A_68, %and3A_70 : vector<1x200xi32>
    %eq3A_72 = vector.broadcast %and3A_71 : vector<1x200xi32> to vector<16x200xi32>
    %eq3A_73 = arith.cmpi eq, %iota3A, %eq3A_72 : vector<16x200xi32>
    %shift_right_arithmetic3A_74 = arith.constant 16 : i32
    %shift_right_arithmetic3A_75 = vector.broadcast %shift_right_arithmetic3A_74 : i32 to vector<1x200xi32>
    %shift_right_arithmetic3A_76 = arith.shrsi %slice3A, %shift_right_arithmetic3A_75 : vector<1x200xi32>
    %and3A_77 = arith.constant 15 : i32
    %and3A_78 = vector.broadcast %and3A_77 : i32 to vector<1x200xi32>
    %and3A_79 = arith.andi %shift_right_arithmetic3A_76, %and3A_78 : vector<1x200xi32>
    %eq3A_80 = vector.broadcast %and3A_79 : vector<1x200xi32> to vector<16x200xi32>
    %eq3A_81 = arith.cmpi eq, %iota3A, %eq3A_80 : vector<16x200xi32>
    %shift_right_arithmetic3A_82 = arith.constant 20 : i32
    %shift_right_arithmetic3A_83 = vector.broadcast %shift_right_arithmetic3A_82 : i32 to vector<1x200xi32>
    %shift_right_arithmetic3A_84 = arith.shrsi %slice3A, %shift_right_arithmetic3A_83 : vector<1x200xi32>
    %and3A_85 = arith.constant 15 : i32
    %and3A_86 = vector.broadcast %and3A_85 : i32 to vector<1x200xi32>
    %and3A_87 = arith.andi %shift_right_arithmetic3A_84, %and3A_86 : vector<1x200xi32>
    %eq3A_88 = vector.broadcast %and3A_87 : vector<1x200xi32> to vector<16x200xi32>
    %eq3A_89 = arith.cmpi eq, %iota3A, %eq3A_88 : vector<16x200xi32>
    %shift_right_arithmetic3A_90 = arith.constant 24 : i32
    %shift_right_arithmetic3A_91 = vector.broadcast %shift_right_arithmetic3A_90 : i32 to vector<1x200xi32>
    %shift_right_arithmetic3A_92 = arith.shrsi %slice3A, %shift_right_arithmetic3A_91 : vector<1x200xi32>
    %and3A_93 = arith.constant 15 : i32
    %and3A_94 = vector.broadcast %and3A_93 : i32 to vector<1x200xi32>
    %and3A_95 = arith.andi %shift_right_arithmetic3A_92, %and3A_94 : vector<1x200xi32>
    %eq3A_96 = vector.broadcast %and3A_95 : vector<1x200xi32> to vector<16x200xi32>
    %eq3A_97 = arith.cmpi eq, %iota3A, %eq3A_96 : vector<16x200xi32>
    %shift_right_arithmetic3A_98 = arith.constant 28 : i32
    %shift_right_arithmetic3A_99 = vector.broadcast %shift_right_arithmetic3A_98 : i32 to vector<1x200xi32>
    %shift_right_arithmetic3A_100 = arith.shrsi %slice3A, %shift_right_arithmetic3A_99 : vector<1x200xi32>
    %and3A_101 = arith.constant 15 : i32
    %and3A_102 = vector.broadcast %and3A_101 : i32 to vector<1x200xi32>
    %and3A_103 = arith.andi %shift_right_arithmetic3A_100, %and3A_102 : vector<1x200xi32>
    %eq3A_104 = vector.broadcast %and3A_103 : vector<1x200xi32> to vector<16x200xi32>
    %eq3A_105 = arith.cmpi eq, %iota3A, %eq3A_104 : vector<16x200xi32>
    %concatenate3A = tpu.concatenate %eq3A_49, %eq3A_57, %eq3A_65, %eq3A_73, %eq3A_81, %eq3A_89, %eq3A_97, %eq3A_105 in 0 : vector<16x200xi1>, vector<16x200xi1>, vector<16x200xi1>, vector<16x200xi1>, vector<16x200xi1>, vector<16x200xi1>, vector<16x200xi1>, vector<16x200xi1> -> vector<128x200xi1>
    %convert_element_type3A_106 = arith.extui %concatenate3A : vector<128x200xi1> to vector<128x200xi32>
    %convert_element_type3A_107 = arith.sitofp %convert_element_type3A_106 : vector<128x200xi32> to vector<128x200xf32>
    %convert_element_type3A_108 = arith.truncf %convert_element_type3A_107 : vector<128x200xf32> to vector<128x200xbf16>
    %dot_general3A = arith.constant dense<0.000000e+00> : vector<200x128xf32>
    %dot_general3A_109 = tpu.matmul %convert_element_type3A_108, %convert_element_type3A_33, %dot_general3A {dimension_numbers = #tpu.dot_dimension_numbers<[0], [0], [1], [1], [0, 1, 1, 1], [], []>, transpose_lhs_hint = false} : vector<128x200xbf16>, vector<128x128xbf16>, vector<200x128xf32> -> vector<200x128xf32>
    %slice3A_110 = vector.extract_strided_slice %add3A_24 {offsets = [0, 0], sizes = [1, 200], strides = [1, 1]} : vector<8x200xf32> to vector<1x200xf32>
    %convert_element_type3A_111 = arith.truncf %slice3A_110 : vector<1x200xf32> to vector<1x200xbf16>
    %dot_general3A_112 = arith.constant dense<0.000000e+00> : vector<200x128xf32>
    %dot_general3A_113 = tpu.matmul %convert_element_type3A_111, %broadcast_in_dim3A_41, %dot_general3A_112 {dimension_numbers = #tpu.dot_dimension_numbers<[0], [0], [1], [1], [0, 1, 1, 1], [], []>, transpose_lhs_hint = false} : vector<1x200xbf16>, vector<1x128xbf16>, vector<200x128xf32> -> vector<200x128xf32>
    %get3A_114 = arith.constant 0 : index
    %get3A_115 = arith.constant 0 : index
    %get3A_116 = arith.constant 0 : index
    %get3A_117 = vector.load %arg1[%get3A_114, %get3A_115, %get3A_116] : memref<8x200x128xf32, #tpu.memory_space<vmem>>, vector<1x200x128xf32>
    %get3A_118 = vector.shape_cast %get3A_117 : vector<1x200x128xf32> to vector<200x128xf32>
    %mul3A_119 = arith.mulf %get3A_118, %dot_general3A_113 : vector<200x128xf32>
    %add3A_120 = arith.addf %mul3A_119, %dot_general3A_109 : vector<200x128xf32>
    %get3A_121 = arith.constant 0 : index
    %get3A_122 = arith.constant 0 : index
    %get3A_123 = arith.constant 0 : index
    %get3A_124 = vector.load %arg4[%get3A_121, %get3A_122, %get3A_123] : memref<8x200x64xf32, #tpu.memory_space<vmem>>, vector<1x200x64xf32>
    %get3A_125 = vector.shape_cast %get3A_124 : vector<1x200x64xf32> to vector<200x64xf32>
    %convert_element_type3A_126 = arith.truncf %get3A_125 : vector<200x64xf32> to vector<200x64xbf16>
    %slice3A_127 = vector.extract_strided_slice %and3A_27 {offsets = [0, 0], sizes = [1, 200], strides = [1, 1]} : vector<8x200xi32> to vector<1x200xi32>
    %eq3A_128 = vector.broadcast %slice3A_127 : vector<1x200xi32> to vector<200x200xi32>
    %eq3A_129 = arith.cmpi eq, %iota3A_40, %eq3A_128 : vector<200x200xi32>
    %convert_element_type3A_130 = arith.extui %eq3A_129 : vector<200x200xi1> to vector<200x200xi32>
    %convert_element_type3A_131 = arith.sitofp %convert_element_type3A_130 : vector<200x200xi32> to vector<200x200xf32>
    %convert_element_type3A_132 = arith.truncf %convert_element_type3A_131 : vector<200x200xf32> to vector<200x200xbf16>
    %dot_general3A_133 = arith.constant dense<0.000000e+00> : vector<200x64xf32>
    %dot_general3A_134 = tpu.matmul %convert_element_type3A_132, %convert_element_type3A_126, %dot_general3A_133 {dimension_numbers = #tpu.dot_dimension_numbers<[0], [0], [1], [1], [0, 1, 1, 1], [], []>, transpose_lhs_hint = false} : vector<200x200xbf16>, vector<200x64xbf16>, vector<200x64xf32> -> vector<200x64xf32>
    %slice3A_135 = vector.extract_strided_slice %shift_right_arithmetic3A_29 {offsets = [0, 0], sizes = [1, 200], strides = [1, 1]} : vector<8x200xi32> to vector<1x200xi32>
    %eq3A_136 = vector.broadcast %slice3A_135 : vector<1x200xi32> to vector<200x200xi32>
    %eq3A_137 = arith.cmpi eq, %iota3A_40, %eq3A_136 : vector<200x200xi32>
    %convert_element_type3A_138 = arith.extui %eq3A_137 : vector<200x200xi1> to vector<200x200xi32>
    %convert_element_type3A_139 = arith.sitofp %convert_element_type3A_138 : vector<200x200xi32> to vector<200x200xf32>
    %convert_element_type3A_140 = arith.truncf %convert_element_type3A_139 : vector<200x200xf32> to vector<200x200xbf16>
    %dot_general3A_141 = arith.constant dense<0.000000e+00> : vector<200x64xf32>
    %dot_general3A_142 = tpu.matmul %convert_element_type3A_140, %convert_element_type3A_126, %dot_general3A_141 {dimension_numbers = #tpu.dot_dimension_numbers<[0], [0], [1], [1], [0, 1, 1, 1], [], []>, transpose_lhs_hint = false} : vector<200x200xbf16>, vector<200x64xbf16>, vector<200x64xf32> -> vector<200x64xf32>
    %concatenate3A_143 = tpu.concatenate %add3A_120, %dot_general3A_134, %dot_general3A_142 in 1 : vector<200x128xf32>, vector<200x64xf32>, vector<200x64xf32> -> vector<200x256xf32>
    %reduce_sum3A = arith.constant dense<0.000000e+00> : vector<200xf32>
    %reduce_sum3A_144 = vector.multi_reduction <add>, %concatenate3A_143, %reduce_sum3A [1] : vector<200x256xf32> to vector<200xf32>
    %broadcast_in_dim3A_145 = vector.shape_cast %reduce_sum3A_144 : vector<200xf32> to vector<200x1xf32>
    %div3A = arith.constant 2.560000e+02 : f32
    %div3A_146 = vector.broadcast %div3A : f32 to vector<200x1xf32>
    %div3A_147 = arith.divf %broadcast_in_dim3A_145, %div3A_146 : vector<200x1xf32>
    %mul3A_148 = arith.mulf %concatenate3A_143, %concatenate3A_143 : vector<200x256xf32>
    %reduce_sum3A_149 = arith.constant dense<0.000000e+00> : vector<200xf32>
    %reduce_sum3A_150 = vector.multi_reduction <add>, %mul3A_148, %reduce_sum3A_149 [1] : vector<200x256xf32> to vector<200xf32>
    %broadcast_in_dim3A_151 = vector.shape_cast %reduce_sum3A_150 : vector<200xf32> to vector<200x1xf32>
    %div3A_152 = arith.constant 2.560000e+02 : f32
    %div3A_153 = vector.broadcast %div3A_152 : f32 to vector<200x1xf32>
    %div3A_154 = arith.divf %broadcast_in_dim3A_151, %div3A_153 : vector<200x1xf32>
    %mul3A_155 = arith.mulf %div3A_147, %div3A_147 : vector<200x1xf32>
    %sub3A = arith.subf %div3A_154, %mul3A_155 : vector<200x1xf32>
    %add3A_156 = arith.constant 9.99999996E-13 : f32
    %add3A_157 = vector.broadcast %add3A_156 : f32 to vector<200x1xf32>
    %add3A_158 = arith.addf %sub3A, %add3A_157 : vector<200x1xf32>
    %rsqrt3A = math.rsqrt %add3A_158 : vector<200x1xf32>
    %sub3A_159 = vector.broadcast %div3A_147 : vector<200x1xf32> to vector<200x256xf32>
    %sub3A_160 = arith.subf %concatenate3A_143, %sub3A_159 : vector<200x256xf32>
    %mul3A_161 = vector.broadcast %rsqrt3A : vector<200x1xf32> to vector<200x256xf32>
    %mul3A_162 = arith.mulf %sub3A_160, %mul3A_161 : vector<200x256xf32>
    %mul3A_163 = vector.broadcast %get3A_36 : vector<1x256xf32> to vector<200x256xf32>
    %mul3A_164 = arith.mulf %mul3A_162, %mul3A_163 : vector<200x256xf32>
    %add3A_165 = vector.broadcast %get3A_39 : vector<1x256xf32> to vector<200x256xf32>
    %add3A_166 = arith.addf %mul3A_164, %add3A_165 : vector<200x256xf32>
    %swap3A = arith.constant 0 : index
    %swap3A_167 = arith.constant 0 : index
    %swap3A_168 = arith.constant 0 : index
    %swap3A_169 = vector.load %arg10[%swap3A, %swap3A_167, %swap3A_168] : memref<8x200x256xf32, #tpu.memory_space<vmem>>, vector<1x200x256xf32>
    %swap3A_170 = vector.shape_cast %swap3A_169 : vector<1x200x256xf32> to vector<200x256xf32>
    %swap3A_171 = vector.shape_cast %add3A_166 : vector<200x256xf32> to vector<1x200x256xf32>
    tpu.vector_store %arg10[%swap3A, %swap3A_167, %swap3A_168], %swap3A_171 {strides = array<i32>} : memref<8x200x256xf32, #tpu.memory_space<vmem>>, vector<1x200x256xf32>,
    %slice3A_172 = vector.extract_strided_slice %get3A_1 {offsets = [1, 0], sizes = [1, 200], strides = [1, 1]} : vector<8x200xi32> to vector<1x200xi32>
    %shift_right_arithmetic3A_173 = arith.constant 0 : i32
    %shift_right_arithmetic3A_174 = vector.broadcast %shift_right_arithmetic3A_173 : i32 to vector<1x200xi32>
    %shift_right_arithmetic3A_175 = arith.shrsi %slice3A_172, %shift_right_arithmetic3A_174 : vector<1x200xi32>
    %and3A_176 = arith.constant 15 : i32
    %and3A_177 = vector.broadcast %and3A_176 : i32 to vector<1x200xi32>
    %and3A_178 = arith.andi %shift_right_arithmetic3A_175, %and3A_177 : vector<1x200xi32>
    %eq3A_179 = vector.broadcast %and3A_178 : vector<1x200xi32> to vector<16x200xi32>
    %eq3A_180 = arith.cmpi eq, %iota3A, %eq3A_179 : vector<16x200xi32>
    %shift_right_arithmetic3A_181 = arith.constant 4 : i32
    %shift_right_arithmetic3A_182 = vector.broadcast %shift_right_arithmetic3A_181 : i32 to vector<1x200xi32>
    %shift_right_arithmetic3A_183 = arith.shrsi %slice3A_172, %shift_right_arithmetic3A_182 : vector<1x200xi32>
    %and3A_184 = arith.constant 15 : i32
    %and3A_185 = vector.broadcast %and3A_184 : i32 to vector<1x200xi32>
    %and3A_186 = arith.andi %shift_right_arithmetic3A_183, %and3A_185 : vector<1x200xi32>
    %eq3A_187 = vector.broadcast %and3A_186 : vector<1x200xi32> to vector<16x200xi32>
    %eq3A_188 = arith.cmpi eq, %iota3A, %eq3A_187 : vector<16x200xi32>
    %shift_right_arithmetic3A_189 = arith.constant 8 : i32
    %shift_right_arithmetic3A_190 = vector.broadcast %shift_right_arithmetic3A_189 : i32 to vector<1x200xi32>
    %shift_right_arithmetic3A_191 = arith.shrsi %slice3A_172, %shift_right_arithmetic3A_190 : vector<1x200xi32>
    %and3A_192 = arith.constant 15 : i32
    %and3A_193 = vector.broadcast %and3A_192 : i32 to vector<1x200xi32>
    %and3A_194 = arith.andi %shift_right_arithmetic3A_191, %and3A_193 : vector<1x200xi32>
    %eq3A_195 = vector.broadcast %and3A_194 : vector<1x200xi32> to vector<16x200xi32>
    %eq3A_196 = arith.cmpi eq, %iota3A, %eq3A_195 : vector<16x200xi32>
    %shift_right_arithmetic3A_197 = arith.constant 12 : i32
    %shift_right_arithmetic3A_198 = vector.broadcast %shift_right_arithmetic3A_197 : i32 to vector<1x200xi32>
    %shift_right_arithmetic3A_199 = arith.shrsi %slice3A_172, %shift_right_arithmetic3A_198 : vector<1x200xi32>
    %and3A_200 = arith.constant 15 : i32
    %and3A_201 = vector.broadcast %and3A_200 : i32 to vector<1x200xi32>
    %and3A_202 = arith.andi %shift_right_arithmetic3A_199, %and3A_201 : vector<1x200xi32>
    %eq3A_203 = vector.broadcast %and3A_202 : vector<1x200xi32> to vector<16x200xi32>
    %eq3A_204 = arith.cmpi eq, %iota3A, %eq3A_203 : vector<16x200xi32>
    %shift_right_arithmetic3A_205 = arith.constant 16 : i32
    %shift_right_arithmetic3A_206 = vector.broadcast %shift_right_arithmetic3A_205 : i32 to vector<1x200xi32>
    %shift_right_arithmetic3A_207 = arith.shrsi %slice3A_172, %shift_right_arithmetic3A_206 : vector<1x200xi32>
    %and3A_208 = arith.constant 15 : i32
    %and3A_209 = vector.broadcast %and3A_208 : i32 to vector<1x200xi32>
    %and3A_210 = arith.andi %shift_right_arithmetic3A_207, %and3A_209 : vector<1x200xi32>
    %eq3A_211 = vector.broadcast %and3A_210 : vector<1x200xi32> to vector<16x200xi32>
    %eq3A_212 = arith.cmpi eq, %iota3A, %eq3A_211 : vector<16x200xi32>
    %shift_right_arithmetic3A_213 = arith.constant 20 : i32
    %shift_right_arithmetic3A_214 = vector.broadcast %shift_right_arithmetic3A_213 : i32 to vector<1x200xi32>
    %shift_right_arithmetic3A_215 = arith.shrsi %slice3A_172, %shift_right_arithmetic3A_214 : vector<1x200xi32>
    %and3A_216 = arith.constant 15 : i32
    %and3A_217 = vector.broadcast %and3A_216 : i32 to vector<1x200xi32>
    %and3A_218 = arith.andi %shift_right_arithmetic3A_215, %and3A_217 : vector<1x200xi32>
    %eq3A_219 = vector.broadcast %and3A_218 : vector<1x200xi32> to vector<16x200xi32>
    %eq3A_220 = arith.cmpi eq, %iota3A, %eq3A_219 : vector<16x200xi32>
    %shift_right_arithmetic3A_221 = arith.constant 24 : i32
    %shift_right_arithmetic3A_222 = vector.broadcast %shift_right_arithmetic3A_221 : i32 to vector<1x200xi32>
    %shift_right_arithmetic3A_223 = arith.shrsi %slice3A_172, %shift_right_arithmetic3A_222 : vector<1x200xi32>
    %and3A_224 = arith.constant 15 : i32
    %and3A_225 = vector.broadcast %and3A_224 : i32 to vector<1x200xi32>
    %and3A_226 = arith.andi %shift_right_arithmetic3A_223, %and3A_225 : vector<1x200xi32>
    %eq3A_227 = vector.broadcast %and3A_226 : vector<1x200xi32> to vector<16x200xi32>
    %eq3A_228 = arith.cmpi eq, %iota3A, %eq3A_227 : vector<16x200xi32>
    %shift_right_arithmetic3A_229 = arith.constant 28 : i32
    %shift_right_arithmetic3A_230 = vector.broadcast %shift_right_arithmetic3A_229 : i32 to vector<1x200xi32>
    %shift_right_arithmetic3A_231 = arith.shrsi %slice3A_172, %shift_right_arithmetic3A_230 : vector<1x200xi32>
    %and3A_232 = arith.constant 15 : i32
    %and3A_233 = vector.broadcast %and3A_232 : i32 to vector<1x200xi32>
    %and3A_234 = arith.andi %shift_right_arithmetic3A_231, %and3A_233 : vector<1x200xi32>
    %eq3A_235 = vector.broadcast %and3A_234 : vector<1x200xi32> to vector<16x200xi32>
    %eq3A_236 = arith.cmpi eq, %iota3A, %eq3A_235 : vector<16x200xi32>
    %concatenate3A_237 = tpu.concatenate %eq3A_180, %eq3A_188, %eq3A_196, %eq3A_204, %eq3A_212, %eq3A_220, %eq3A_228, %eq3A_236 in 0 : vector<16x200xi1>, vector<16x200xi1>, vector<16x200xi1>, vector<16x200xi1>, vector<16x200xi1>, vector<16x200xi1>, vector<16x200xi1>, vector<16x200xi1> -> vector<128x200xi1>
    %convert_element_type3A_238 = arith.extui %concatenate3A_237 : vector<128x200xi1> to vector<128x200xi32>
    %convert_element_type3A_239 = arith.sitofp %convert_element_type3A_238 : vector<128x200xi32> to vector<128x200xf32>
    %convert_element_type3A_240 = arith.truncf %convert_element_type3A_239 : vector<128x200xf32> to vector<128x200xbf16>
    %dot_general3A_241 = arith.constant dense<0.000000e+00> : vector<200x128xf32>
    %dot_general3A_242 = tpu.matmul %convert_element_type3A_240, %convert_element_type3A_33, %dot_general3A_241 {dimension_numbers = #tpu.dot_dimension_numbers<[0], [0], [1], [1], [0, 1, 1, 1], [], []>, transpose_lhs_hint = false} : vector<128x200xbf16>, vector<128x128xbf16>, vector<200x128xf32> -> vector<200x128xf32>
    %slice3A_243 = vector.extract_strided_slice %add3A_24 {offsets = [1, 0], sizes = [1, 200], strides = [1, 1]} : vector<8x200xf32> to vector<1x200xf32>
    %convert_element_type3A_244 = arith.truncf %slice3A_243 : vector<1x200xf32> to vector<1x200xbf16>
    %dot_general3A_245 = arith.constant dense<0.000000e+00> : vector<200x128xf32>
    %dot_general3A_246 = tpu.matmul %convert_element_type3A_244, %broadcast_in_dim3A_41, %dot_general3A_245 {dimension_numbers = #tpu.dot_dimension_numbers<[0], [0], [1], [1], [0, 1, 1, 1], [], []>, transpose_lhs_hint = false} : vector<1x200xbf16>, vector<1x128xbf16>, vector<200x128xf32> -> vector<200x128xf32>
    %get3A_247 = arith.constant 1 : index
    %get3A_248 = arith.constant 0 : index
    %get3A_249 = arith.constant 0 : index
    %get3A_250 = vector.load %arg1[%get3A_247, %get3A_248, %get3A_249] : memref<8x200x128xf32, #tpu.memory_space<vmem>>, vector<1x200x128xf32>
    %get3A_251 = vector.shape_cast %get3A_250 : vector<1x200x128xf32> to vector<200x128xf32>
    %mul3A_252 = arith.mulf %get3A_251, %dot_general3A_246 : vector<200x128xf32>
    %add3A_253 = arith.addf %mul3A_252, %dot_general3A_242 : vector<200x128xf32>
    %get3A_254 = arith.constant 1 : index
    %get3A_255 = arith.constant 0 : index
    %get3A_256 = arith.constant 0 : index
    %get3A_257 = vector.load %arg4[%get3A_254, %get3A_255, %get3A_256] : memref<8x200x64xf32, #tpu.memory_space<vmem>>, vector<1x200x64xf32>
    %get3A_258 = vector.shape_cast %get3A_257 : vector<1x200x64xf32> to vector<200x64xf32>
    %convert_element_type3A_259 = arith.truncf %get3A_258 : vector<200x64xf32> to vector<200x64xbf16>
    %slice3A_260 = vector.extract_strided_slice %and3A_27 {offsets = [1, 0], sizes = [1, 200], strides = [1, 1]} : vector<8x200xi32> to vector<1x200xi32>
    %eq3A_261 = vector.broadcast %slice3A_260 : vector<1x200xi32> to vector<200x200xi32>
    %eq3A_262 = arith.cmpi eq, %iota3A_40, %eq3A_261 : vector<200x200xi32>
    %convert_element_type3A_263 = arith.extui %eq3A_262 : vector<200x200xi1> to vector<200x200xi32>
    %convert_element_type3A_264 = arith.sitofp %convert_element_type3A_263 : vector<200x200xi32> to vector<200x200xf32>
    %convert_element_type3A_265 = arith.truncf %convert_element_type3A_264 : vector<200x200xf32> to vector<200x200xbf16>
    %dot_general3A_266 = arith.constant dense<0.000000e+00> : vector<200x64xf32>
    %dot_general3A_267 = tpu.matmul %convert_element_type3A_265, %convert_element_type3A_259, %dot_general3A_266 {dimension_numbers = #tpu.dot_dimension_numbers<[0], [0], [1], [1], [0, 1, 1, 1], [], []>, transpose_lhs_hint = false} : vector<200x200xbf16>, vector<200x64xbf16>, vector<200x64xf32> -> vector<200x64xf32>
    %slice3A_268 = vector.extract_strided_slice %shift_right_arithmetic3A_29 {offsets = [1, 0], sizes = [1, 200], strides = [1, 1]} : vector<8x200xi32> to vector<1x200xi32>
    %eq3A_269 = vector.broadcast %slice3A_268 : vector<1x200xi32> to vector<200x200xi32>
    %eq3A_270 = arith.cmpi eq, %iota3A_40, %eq3A_269 : vector<200x200xi32>
    %convert_element_type3A_271 = arith.extui %eq3A_270 : vector<200x200xi1> to vector<200x200xi32>
    %convert_element_type3A_272 = arith.sitofp %convert_element_type3A_271 : vector<200x200xi32> to vector<200x200xf32>
    %convert_element_type3A_273 = arith.truncf %convert_element_type3A_272 : vector<200x200xf32> to vector<200x200xbf16>
    %dot_general3A_274 = arith.constant dense<0.000000e+00> : vector<200x64xf32>
    %dot_general3A_275 = tpu.matmul %convert_element_type3A_273, %convert_element_type3A_259, %dot_general3A_274 {dimension_numbers = #tpu.dot_dimension_numbers<[0], [0], [1], [1], [0, 1, 1, 1], [], []>, transpose_lhs_hint = false} : vector<200x200xbf16>, vector<200x64xbf16>, vector<200x64xf32> -> vector<200x64xf32>
    %concatenate3A_276 = tpu.concatenate %add3A_253, %dot_general3A_267, %dot_general3A_275 in 1 : vector<200x128xf32>, vector<200x64xf32>, vector<200x64xf32> -> vector<200x256xf32>
    %reduce_sum3A_277 = arith.constant dense<0.000000e+00> : vector<200xf32>
    %reduce_sum3A_278 = vector.multi_reduction <add>, %concatenate3A_276, %reduce_sum3A_277 [1] : vector<200x256xf32> to vector<200xf32>
    %broadcast_in_dim3A_279 = vector.shape_cast %reduce_sum3A_278 : vector<200xf32> to vector<200x1xf32>
    %div3A_280 = arith.constant 2.560000e+02 : f32
    %div3A_281 = vector.broadcast %div3A_280 : f32 to vector<200x1xf32>
    %div3A_282 = arith.divf %broadcast_in_dim3A_279, %div3A_281 : vector<200x1xf32>
    %mul3A_283 = arith.mulf %concatenate3A_276, %concatenate3A_276 : vector<200x256xf32>
    %reduce_sum3A_284 = arith.constant dense<0.000000e+00> : vector<200xf32>
    %reduce_sum3A_285 = vector.multi_reduction <add>, %mul3A_283, %reduce_sum3A_284 [1] : vector<200x256xf32> to vector<200xf32>
    %broadcast_in_dim3A_286 = vector.shape_cast %reduce_sum3A_285 : vector<200xf32> to vector<200x1xf32>
    %div3A_287 = arith.constant 2.560000e+02 : f32
    %div3A_288 = vector.broadcast %div3A_287 : f32 to vector<200x1xf32>
    %div3A_289 = arith.divf %broadcast_in_dim3A_286, %div3A_288 : vector<200x1xf32>
    %mul3A_290 = arith.mulf %div3A_282, %div3A_282 : vector<200x1xf32>
    %sub3A_291 = arith.subf %div3A_289, %mul3A_290 : vector<200x1xf32>
    %add3A_292 = arith.constant 9.99999996E-13 : f32
    %add3A_293 = vector.broadcast %add3A_292 : f32 to vector<200x1xf32>
    %add3A_294 = arith.addf %sub3A_291, %add3A_293 : vector<200x1xf32>
    %rsqrt3A_295 = math.rsqrt %add3A_294 : vector<200x1xf32>
    %sub3A_296 = vector.broadcast %div3A_282 : vector<200x1xf32> to vector<200x256xf32>
    %sub3A_297 = arith.subf %concatenate3A_276, %sub3A_296 : vector<200x256xf32>
    %mul3A_298 = vector.broadcast %rsqrt3A_295 : vector<200x1xf32> to vector<200x256xf32>
    %mul3A_299 = arith.mulf %sub3A_297, %mul3A_298 : vector<200x256xf32>
    %mul3A_300 = vector.broadcast %get3A_36 : vector<1x256xf32> to vector<200x256xf32>
    %mul3A_301 = arith.mulf %mul3A_299, %mul3A_300 : vector<200x256xf32>
    %add3A_302 = vector.broadcast %get3A_39 : vector<1x256xf32> to vector<200x256xf32>
    %add3A_303 = arith.addf %mul3A_301, %add3A_302 : vector<200x256xf32>
    %swap3A_304 = arith.constant 1 : index
    %swap3A_305 = arith.constant 0 : index
    %swap3A_306 = arith.constant 0 : index
    %swap3A_307 = vector.load %arg10[%swap3A_304, %swap3A_305, %swap3A_306] : memref<8x200x256xf32, #tpu.memory_space<vmem>>, vector<1x200x256xf32>
    %swap3A_308 = vector.shape_cast %swap3A_307 : vector<1x200x256xf32> to vector<200x256xf32>
    %swap3A_309 = vector.shape_cast %add3A_303 : vector<200x256xf32> to vector<1x200x256xf32>
    tpu.vector_store %arg10[%swap3A_304, %swap3A_305, %swap3A_306], %swap3A_309 {strides = array<i32>} : memref<8x200x256xf32, #tpu.memory_space<vmem>>, vector<1x200x256xf32>,
    %slice3A_310 = vector.extract_strided_slice %get3A_1 {offsets = [2, 0], sizes = [1, 200], strides = [1, 1]} : vector<8x200xi32> to vector<1x200xi32>
    %shift_right_arithmetic3A_311 = arith.constant 0 : i32
    %shift_right_arithmetic3A_312 = vector.broadcast %shift_right_arithmetic3A_311 : i32 to vector<1x200xi32>
    %shift_right_arithmetic3A_313 = arith.shrsi %slice3A_310, %shift_right_arithmetic3A_312 : vector<1x200xi32>
    %and3A_314 = arith.constant 15 : i32
    %and3A_315 = vector.broadcast %and3A_314 : i32 to vector<1x200xi32>
    %and3A_316 = arith.andi %shift_right_arithmetic3A_313, %and3A_315 : vector<1x200xi32>
    %eq3A_317 = vector.broadcast %and3A_316 : vector<1x200xi32> to vector<16x200xi32>
    %eq3A_318 = arith.cmpi eq, %iota3A, %eq3A_317 : vector<16x200xi32>
    %shift_right_arithmetic3A_319 = arith.constant 4 : i32
    %shift_right_arithmetic3A_320 = vector.broadcast %shift_right_arithmetic3A_319 : i32 to vector<1x200xi32>
    %shift_right_arithmetic3A_321 = arith.shrsi %slice3A_310, %shift_right_arithmetic3A_320 : vector<1x200xi32>
    %and3A_322 = arith.constant 15 : i32
    %and3A_323 = vector.broadcast %and3A_322 : i32 to vector<1x200xi32>
    %and3A_324 = arith.andi %shift_right_arithmetic3A_321, %and3A_323 : vector<1x200xi32>
    %eq3A_325 = vector.broadcast %and3A_324 : vector<1x200xi32> to vector<16x200xi32>
    %eq3A_326 = arith.cmpi eq, %iota3A, %eq3A_325 : vector<16x200xi32>
    %shift_right_arithmetic3A_327 = arith.constant 8 : i32
    %shift_right_arithmetic3A_328 = vector.broadcast %shift_right_arithmetic3A_327 : i32 to vector<1x200xi32>
    %shift_right_arithmetic3A_329 = arith.shrsi %slice3A_310, %shift_right_arithmetic3A_328 : vector<1x200xi32>
    %and3A_330 = arith.constant 15 : i32
    %and3A_331 = vector.broadcast %and3A_330 : i32 to vector<1x200xi32>
    %and3A_332 = arith.andi %shift_right_arithmetic3A_329, %and3A_331 : vector<1x200xi32>
    %eq3A_333 = vector.broadcast %and3A_332 : vector<1x200xi32> to vector<16x200xi32>
    %eq3A_334 = arith.cmpi eq, %iota3A, %eq3A_333 : vector<16x200xi32>
    %shift_right_arithmetic3A_335 = arith.constant 12 : i32
    %shift_right_arithmetic3A_336 = vector.broadcast %shift_right_arithmetic3A_335 : i32 to vector<1x200xi32>
    %shift_right_arithmetic3A_337 = arith.shrsi %slice3A_310, %shift_right_arithmetic3A_336 : vector<1x200xi32>
    %and3A_338 = arith.constant 15 : i32
    %and3A_339 = vector.broadcast %and3A_338 : i32 to vector<1x200xi32>
    %and3A_340 = arith.andi %shift_right_arithmetic3A_337, %and3A_339 : vector<1x200xi32>
    %eq3A_341 = vector.broadcast %and3A_340 : vector<1x200xi32> to vector<16x200xi32>
    %eq3A_342 = arith.cmpi eq, %iota3A, %eq3A_341 : vector<16x200xi32>
    %shift_right_arithmetic3A_343 = arith.constant 16 : i32
    %shift_right_arithmetic3A_344 = vector.broadcast %shift_right_arithmetic3A_343 : i32 to vector<1x200xi32>
    %shift_right_arithmetic3A_345 = arith.shrsi %slice3A_310, %shift_right_arithmetic3A_344 : vector<1x200xi32>
    %and3A_346 = arith.constant 15 : i32
    %and3A_347 = vector.broadcast %and3A_346 : i32 to vector<1x200xi32>
    %and3A_348 = arith.andi %shift_right_arithmetic3A_345, %and3A_347 : vector<1x200xi32>
    %eq3A_349 = vector.broadcast %and3A_348 : vector<1x200xi32> to vector<16x200xi32>
    %eq3A_350 = arith.cmpi eq, %iota3A, %eq3A_349 : vector<16x200xi32>
    %shift_right_arithmetic3A_351 = arith.constant 20 : i32
    %shift_right_arithmetic3A_352 = vector.broadcast %shift_right_arithmetic3A_351 : i32 to vector<1x200xi32>
    %shift_right_arithmetic3A_353 = arith.shrsi %slice3A_310, %shift_right_arithmetic3A_352 : vector<1x200xi32>
    %and3A_354 = arith.constant 15 : i32
    %and3A_355 = vector.broadcast %and3A_354 : i32 to vector<1x200xi32>
    %and3A_356 = arith.andi %shift_right_arithmetic3A_353, %and3A_355 : vector<1x200xi32>
    %eq3A_357 = vector.broadcast %and3A_356 : vector<1x200xi32> to vector<16x200xi32>
    %eq3A_358 = arith.cmpi eq, %iota3A, %eq3A_357 : vector<16x200xi32>
    %shift_right_arithmetic3A_359 = arith.constant 24 : i32
    %shift_right_arithmetic3A_360 = vector.broadcast %shift_right_arithmetic3A_359 : i32 to vector<1x200xi32>
    %shift_right_arithmetic3A_361 = arith.shrsi %slice3A_310, %shift_right_arithmetic3A_360 : vector<1x200xi32>
    %and3A_362 = arith.constant 15 : i32
    %and3A_363 = vector.broadcast %and3A_362 : i32 to vector<1x200xi32>
    %and3A_364 = arith.andi %shift_right_arithmetic3A_361, %and3A_363 : vector<1x200xi32>
    %eq3A_365 = vector.broadcast %and3A_364 : vector<1x200xi32> to vector<16x200xi32>
    %eq3A_366 = arith.cmpi eq, %iota3A, %eq3A_365 : vector<16x200xi32>
    %shift_right_arithmetic3A_367 = arith.constant 28 : i32
    %shift_right_arithmetic3A_368 = vector.broadcast %shift_right_arithmetic3A_367 : i32 to vector<1x200xi32>
    %shift_right_arithmetic3A_369 = arith.shrsi %slice3A_310, %shift_right_arithmetic3A_368 : vector<1x200xi32>
    %and3A_370 = arith.constant 15 : i32
    %and3A_371 = vector.broadcast %and3A_370 : i32 to vector<1x200xi32>
    %and3A_372 = arith.andi %shift_right_arithmetic3A_369, %and3A_371 : vector<1x200xi32>
    %eq3A_373 = vector.broadcast %and3A_372 : vector<1x200xi32> to vector<16x200xi32>
    %eq3A_374 = arith.cmpi eq, %iota3A, %eq3A_373 : vector<16x200xi32>
    %concatenate3A_375 = tpu.concatenate %eq3A_318, %eq3A_326, %eq3A_334, %eq3A_342, %eq3A_350, %eq3A_358, %eq3A_366, %eq3A_374 in 0 : vector<16x200xi1>, vector<16x200xi1>, vector<16x200xi1>, vector<16x200xi1>, vector<16x200xi1>, vector<16x200xi1>, vector<16x200xi1>, vector<16x200xi1> -> vector<128x200xi1>
    %convert_element_type3A_376 = arith.extui %concatenate3A_375 : vector<128x200xi1> to vector<128x200xi32>
    %convert_element_type3A_377 = arith.sitofp %convert_element_type3A_376 : vector<128x200xi32> to vector<128x200xf32>
    %convert_element_type3A_378 = arith.truncf %convert_element_type3A_377 : vector<128x200xf32> to vector<128x200xbf16>
    %dot_general3A_379 = arith.constant dense<0.000000e+00> : vector<200x128xf32>
    %dot_general3A_380 = tpu.matmul %convert_element_type3A_378, %convert_element_type3A_33, %dot_general3A_379 {dimension_numbers = #tpu.dot_dimension_numbers<[0], [0], [1], [1], [0, 1, 1, 1], [], []>, transpose_lhs_hint = false} : vector<128x200xbf16>, vector<128x128xbf16>, vector<200x128xf32> -> vector<200x128xf32>
    %slice3A_381 = vector.extract_strided_slice %add3A_24 {offsets = [2, 0], sizes = [1, 200], strides = [1, 1]} : vector<8x200xf32> to vector<1x200xf32>
    %convert_element_type3A_382 = arith.truncf %slice3A_381 : vector<1x200xf32> to vector<1x200xbf16>
    %dot_general3A_383 = arith.constant dense<0.000000e+00> : vector<200x128xf32>
    %dot_general3A_384 = tpu.matmul %convert_element_type3A_382, %broadcast_in_dim3A_41, %dot_general3A_383 {dimension_numbers = #tpu.dot_dimension_numbers<[0], [0], [1], [1], [0, 1, 1, 1], [], []>, transpose_lhs_hint = false} : vector<1x200xbf16>, vector<1x128xbf16>, vector<200x128xf32> -> vector<200x128xf32>
    %get3A_385 = arith.constant 2 : index
    %get3A_386 = arith.constant 0 : index
    %get3A_387 = arith.constant 0 : index
    %get3A_388 = vector.load %arg1[%get3A_385, %get3A_386, %get3A_387] : memref<8x200x128xf32, #tpu.memory_space<vmem>>, vector<1x200x128xf32>
    %get3A_389 = vector.shape_cast %get3A_388 : vector<1x200x128xf32> to vector<200x128xf32>
    %mul3A_390 = arith.mulf %get3A_389, %dot_general3A_384 : vector<200x128xf32>
    %add3A_391 = arith.addf %mul3A_390, %dot_general3A_380 : vector<200x128xf32>
    %get3A_392 = arith.constant 2 : index
    %get3A_393 = arith.constant 0 : index
    %get3A_394 = arith.constant 0 : index
    %get3A_395 = vector.load %arg4[%get3A_392, %get3A_393, %get3A_394] : memref<8x200x64xf32, #tpu.memory_space<vmem>>, vector<1x200x64xf32>
    %get3A_396 = vector.shape_cast %get3A_395 : vector<1x200x64xf32> to vector<200x64xf32>
    %convert_element_type3A_397 = arith.truncf %get3A_396 : vector<200x64xf32> to vector<200x64xbf16>
    %slice3A_398 = vector.extract_strided_slice %and3A_27 {offsets = [2, 0], sizes = [1, 200], strides = [1, 1]} : vector<8x200xi32> to vector<1x200xi32>
    %eq3A_399 = vector.broadcast %slice3A_398 : vector<1x200xi32> to vector<200x200xi32>
    %eq3A_400 = arith.cmpi eq, %iota3A_40, %eq3A_399 : vector<200x200xi32>
    %convert_element_type3A_401 = arith.extui %eq3A_400 : vector<200x200xi1> to vector<200x200xi32>
    %convert_element_type3A_402 = arith.sitofp %convert_element_type3A_401 : vector<200x200xi32> to vector<200x200xf32>
    %convert_element_type3A_403 = arith.truncf %convert_element_type3A_402 : vector<200x200xf32> to vector<200x200xbf16>
    %dot_general3A_404 = arith.constant dense<0.000000e+00> : vector<200x64xf32>
    %dot_general3A_405 = tpu.matmul %convert_element_type3A_403, %convert_element_type3A_397, %dot_general3A_404 {dimension_numbers = #tpu.dot_dimension_numbers<[0], [0], [1], [1], [0, 1, 1, 1], [], []>, transpose_lhs_hint = false} : vector<200x200xbf16>, vector<200x64xbf16>, vector<200x64xf32> -> vector<200x64xf32>
    %slice3A_406 = vector.extract_strided_slice %shift_right_arithmetic3A_29 {offsets = [2, 0], sizes = [1, 200], strides = [1, 1]} : vector<8x200xi32> to vector<1x200xi32>
    %eq3A_407 = vector.broadcast %slice3A_406 : vector<1x200xi32> to vector<200x200xi32>
    %eq3A_408 = arith.cmpi eq, %iota3A_40, %eq3A_407 : vector<200x200xi32>
    %convert_element_type3A_409 = arith.extui %eq3A_408 : vector<200x200xi1> to vector<200x200xi32>
    %convert_element_type3A_410 = arith.sitofp %convert_element_type3A_409 : vector<200x200xi32> to vector<200x200xf32>
    %convert_element_type3A_411 = arith.truncf %convert_element_type3A_410 : vector<200x200xf32> to vector<200x200xbf16>
    %dot_general3A_412 = arith.constant dense<0.000000e+00> : vector<200x64xf32>
    %dot_general3A_413 = tpu.matmul %convert_element_type3A_411, %convert_element_type3A_397, %dot_general3A_412 {dimension_numbers = #tpu.dot_dimension_numbers<[0], [0], [1], [1], [0, 1, 1, 1], [], []>, transpose_lhs_hint = false} : vector<200x200xbf16>, vector<200x64xbf16>, vector<200x64xf32> -> vector<200x64xf32>
    %concatenate3A_414 = tpu.concatenate %add3A_391, %dot_general3A_405, %dot_general3A_413 in 1 : vector<200x128xf32>, vector<200x64xf32>, vector<200x64xf32> -> vector<200x256xf32>
    %reduce_sum3A_415 = arith.constant dense<0.000000e+00> : vector<200xf32>
    %reduce_sum3A_416 = vector.multi_reduction <add>, %concatenate3A_414, %reduce_sum3A_415 [1] : vector<200x256xf32> to vector<200xf32>
    %broadcast_in_dim3A_417 = vector.shape_cast %reduce_sum3A_416 : vector<200xf32> to vector<200x1xf32>
    %div3A_418 = arith.constant 2.560000e+02 : f32
    %div3A_419 = vector.broadcast %div3A_418 : f32 to vector<200x1xf32>
    %div3A_420 = arith.divf %broadcast_in_dim3A_417, %div3A_419 : vector<200x1xf32>
    %mul3A_421 = arith.mulf %concatenate3A_414, %concatenate3A_414 : vector<200x256xf32>
    %reduce_sum3A_422 = arith.constant dense<0.000000e+00> : vector<200xf32>
    %reduce_sum3A_423 = vector.multi_reduction <add>, %mul3A_421, %reduce_sum3A_422 [1] : vector<200x256xf32> to vector<200xf32>
    %broadcast_in_dim3A_424 = vector.shape_cast %reduce_sum3A_423 : vector<200xf32> to vector<200x1xf32>
    %div3A_425 = arith.constant 2.560000e+02 : f32
    %div3A_426 = vector.broadcast %div3A_425 : f32 to vector<200x1xf32>
    %div3A_427 = arith.divf %broadcast_in_dim3A_424, %div3A_426 : vector<200x1xf32>
    %mul3A_428 = arith.mulf %div3A_420, %div3A_420 : vector<200x1xf32>
    %sub3A_429 = arith.subf %div3A_427, %mul3A_428 : vector<200x1xf32>
    %add3A_430 = arith.constant 9.99999996E-13 : f32
    %add3A_431 = vector.broadcast %add3A_430 : f32 to vector<200x1xf32>
    %add3A_432 = arith.addf %sub3A_429, %add3A_431 : vector<200x1xf32>
    %rsqrt3A_433 = math.rsqrt %add3A_432 : vector<200x1xf32>
    %sub3A_434 = vector.broadcast %div3A_420 : vector<200x1xf32> to vector<200x256xf32>
    %sub3A_435 = arith.subf %concatenate3A_414, %sub3A_434 : vector<200x256xf32>
    %mul3A_436 = vector.broadcast %rsqrt3A_433 : vector<200x1xf32> to vector<200x256xf32>
    %mul3A_437 = arith.mulf %sub3A_435, %mul3A_436 : vector<200x256xf32>
    %mul3A_438 = vector.broadcast %get3A_36 : vector<1x256xf32> to vector<200x256xf32>
    %mul3A_439 = arith.mulf %mul3A_437, %mul3A_438 : vector<200x256xf32>
    %add3A_440 = vector.broadcast %get3A_39 : vector<1x256xf32> to vector<200x256xf32>
    %add3A_441 = arith.addf %mul3A_439, %add3A_440 : vector<200x256xf32>
    %swap3A_442 = arith.constant 2 : index
    %swap3A_443 = arith.constant 0 : index
    %swap3A_444 = arith.constant 0 : index
    %swap3A_445 = vector.load %arg10[%swap3A_442, %swap3A_443, %swap3A_444] : memref<8x200x256xf32, #tpu.memory_space<vmem>>, vector<1x200x256xf32>
    %swap3A_446 = vector.shape_cast %swap3A_445 : vector<1x200x256xf32> to vector<200x256xf32>
    %swap3A_447 = vector.shape_cast %add3A_441 : vector<200x256xf32> to vector<1x200x256xf32>
    tpu.vector_store %arg10[%swap3A_442, %swap3A_443, %swap3A_444], %swap3A_447 {strides = array<i32>} : memref<8x200x256xf32, #tpu.memory_space<vmem>>, vector<1x200x256xf32>,
    %slice3A_448 = vector.extract_strided_slice %get3A_1 {offsets = [3, 0], sizes = [1, 200], strides = [1, 1]} : vector<8x200xi32> to vector<1x200xi32>
    %shift_right_arithmetic3A_449 = arith.constant 0 : i32
    %shift_right_arithmetic3A_450 = vector.broadcast %shift_right_arithmetic3A_449 : i32 to vector<1x200xi32>
    %shift_right_arithmetic3A_451 = arith.shrsi %slice3A_448, %shift_right_arithmetic3A_450 : vector<1x200xi32>
    %and3A_452 = arith.constant 15 : i32
    %and3A_453 = vector.broadcast %and3A_452 : i32 to vector<1x200xi32>
    %and3A_454 = arith.andi %shift_right_arithmetic3A_451, %and3A_453 : vector<1x200xi32>
    %eq3A_455 = vector.broadcast %and3A_454 : vector<1x200xi32> to vector<16x200xi32>
    %eq3A_456 = arith.cmpi eq, %iota3A, %eq3A_455 : vector<16x200xi32>
    %shift_right_arithmetic3A_457 = arith.constant 4 : i32
    %shift_right_arithmetic3A_458 = vector.broadcast %shift_right_arithmetic3A_457 : i32 to vector<1x200xi32>
    %shift_right_arithmetic3A_459 = arith.shrsi %slice3A_448, %shift_right_arithmetic3A_458 : vector<1x200xi32>
    %and3A_460 = arith.constant 15 : i32
    %and3A_461 = vector.broadcast %and3A_460 : i32 to vector<1x200xi32>
    %and3A_462 = arith.andi %shift_right_arithmetic3A_459, %and3A_461 : vector<1x200xi32>
    %eq3A_463 = vector.broadcast %and3A_462 : vector<1x200xi32> to vector<16x200xi32>
    %eq3A_464 = arith.cmpi eq, %iota3A, %eq3A_463 : vector<16x200xi32>
    %shift_right_arithmetic3A_465 = arith.constant 8 : i32
    %shift_right_arithmetic3A_466 = vector.broadcast %shift_right_arithmetic3A_465 : i32 to vector<1x200xi32>
    %shift_right_arithmetic3A_467 = arith.shrsi %slice3A_448, %shift_right_arithmetic3A_466 : vector<1x200xi32>
    %and3A_468 = arith.constant 15 : i32
    %and3A_469 = vector.broadcast %and3A_468 : i32 to vector<1x200xi32>
    %and3A_470 = arith.andi %shift_right_arithmetic3A_467, %and3A_469 : vector<1x200xi32>
    %eq3A_471 = vector.broadcast %and3A_470 : vector<1x200xi32> to vector<16x200xi32>
    %eq3A_472 = arith.cmpi eq, %iota3A, %eq3A_471 : vector<16x200xi32>
    %shift_right_arithmetic3A_473 = arith.constant 12 : i32
    %shift_right_arithmetic3A_474 = vector.broadcast %shift_right_arithmetic3A_473 : i32 to vector<1x200xi32>
    %shift_right_arithmetic3A_475 = arith.shrsi %slice3A_448, %shift_right_arithmetic3A_474 : vector<1x200xi32>
    %and3A_476 = arith.constant 15 : i32
    %and3A_477 = vector.broadcast %and3A_476 : i32 to vector<1x200xi32>
    %and3A_478 = arith.andi %shift_right_arithmetic3A_475, %and3A_477 : vector<1x200xi32>
    %eq3A_479 = vector.broadcast %and3A_478 : vector<1x200xi32> to vector<16x200xi32>
    %eq3A_480 = arith.cmpi eq, %iota3A, %eq3A_479 : vector<16x200xi32>
    %shift_right_arithmetic3A_481 = arith.constant 16 : i32
    %shift_right_arithmetic3A_482 = vector.broadcast %shift_right_arithmetic3A_481 : i32 to vector<1x200xi32>
    %shift_right_arithmetic3A_483 = arith.shrsi %slice3A_448, %shift_right_arithmetic3A_482 : vector<1x200xi32>
    %and3A_484 = arith.constant 15 : i32
    %and3A_485 = vector.broadcast %and3A_484 : i32 to vector<1x200xi32>
    %and3A_486 = arith.andi %shift_right_arithmetic3A_483, %and3A_485 : vector<1x200xi32>
    %eq3A_487 = vector.broadcast %and3A_486 : vector<1x200xi32> to vector<16x200xi32>
    %eq3A_488 = arith.cmpi eq, %iota3A, %eq3A_487 : vector<16x200xi32>
    %shift_right_arithmetic3A_489 = arith.constant 20 : i32
    %shift_right_arithmetic3A_490 = vector.broadcast %shift_right_arithmetic3A_489 : i32 to vector<1x200xi32>
    %shift_right_arithmetic3A_491 = arith.shrsi %slice3A_448, %shift_right_arithmetic3A_490 : vector<1x200xi32>
    %and3A_492 = arith.constant 15 : i32
    %and3A_493 = vector.broadcast %and3A_492 : i32 to vector<1x200xi32>
    %and3A_494 = arith.andi %shift_right_arithmetic3A_491, %and3A_493 : vector<1x200xi32>
    %eq3A_495 = vector.broadcast %and3A_494 : vector<1x200xi32> to vector<16x200xi32>
    %eq3A_496 = arith.cmpi eq, %iota3A, %eq3A_495 : vector<16x200xi32>
    %shift_right_arithmetic3A_497 = arith.constant 24 : i32
    %shift_right_arithmetic3A_498 = vector.broadcast %shift_right_arithmetic3A_497 : i32 to vector<1x200xi32>
    %shift_right_arithmetic3A_499 = arith.shrsi %slice3A_448, %shift_right_arithmetic3A_498 : vector<1x200xi32>
    %and3A_500 = arith.constant 15 : i32
    %and3A_501 = vector.broadcast %and3A_500 : i32 to vector<1x200xi32>
    %and3A_502 = arith.andi %shift_right_arithmetic3A_499, %and3A_501 : vector<1x200xi32>
    %eq3A_503 = vector.broadcast %and3A_502 : vector<1x200xi32> to vector<16x200xi32>
    %eq3A_504 = arith.cmpi eq, %iota3A, %eq3A_503 : vector<16x200xi32>
    %shift_right_arithmetic3A_505 = arith.constant 28 : i32
    %shift_right_arithmetic3A_506 = vector.broadcast %shift_right_arithmetic3A_505 : i32 to vector<1x200xi32>
    %shift_right_arithmetic3A_507 = arith.shrsi %slice3A_448, %shift_right_arithmetic3A_506 : vector<1x200xi32>
    %and3A_508 = arith.constant 15 : i32
    %and3A_509 = vector.broadcast %and3A_508 : i32 to vector<1x200xi32>
    %and3A_510 = arith.andi %shift_right_arithmetic3A_507, %and3A_509 : vector<1x200xi32>
    %eq3A_511 = vector.broadcast %and3A_510 : vector<1x200xi32> to vector<16x200xi32>
    %eq3A_512 = arith.cmpi eq, %iota3A, %eq3A_511 : vector<16x200xi32>
    %concatenate3A_513 = tpu.concatenate %eq3A_456, %eq3A_464, %eq3A_472, %eq3A_480, %eq3A_488, %eq3A_496, %eq3A_504, %eq3A_512 in 0 : vector<16x200xi1>, vector<16x200xi1>, vector<16x200xi1>, vector<16x200xi1>, vector<16x200xi1>, vector<16x200xi1>, vector<16x200xi1>, vector<16x200xi1> -> vector<128x200xi1>
    %convert_element_type3A_514 = arith.extui %concatenate3A_513 : vector<128x200xi1> to vector<128x200xi32>
    %convert_element_type3A_515 = arith.sitofp %convert_element_type3A_514 : vector<128x200xi32> to vector<128x200xf32>
    %convert_element_type3A_516 = arith.truncf %convert_element_type3A_515 : vector<128x200xf32> to vector<128x200xbf16>
    %dot_general3A_517 = arith.constant dense<0.000000e+00> : vector<200x128xf32>
    %dot_general3A_518 = tpu.matmul %convert_element_type3A_516, %convert_element_type3A_33, %dot_general3A_517 {dimension_numbers = #tpu.dot_dimension_numbers<[0], [0], [1], [1], [0, 1, 1, 1], [], []>, transpose_lhs_hint = false} : vector<128x200xbf16>, vector<128x128xbf16>, vector<200x128xf32> -> vector<200x128xf32>
    %slice3A_519 = vector.extract_strided_slice %add3A_24 {offsets = [3, 0], sizes = [1, 200], strides = [1, 1]} : vector<8x200xf32> to vector<1x200xf32>
    %convert_element_type3A_520 = arith.truncf %slice3A_519 : vector<1x200xf32> to vector<1x200xbf16>
    %dot_general3A_521 = arith.constant dense<0.000000e+00> : vector<200x128xf32>
    %dot_general3A_522 = tpu.matmul %convert_element_type3A_520, %broadcast_in_dim3A_41, %dot_general3A_521 {dimension_numbers = #tpu.dot_dimension_numbers<[0], [0], [1], [1], [0, 1, 1, 1], [], []>, transpose_lhs_hint = false} : vector<1x200xbf16>, vector<1x128xbf16>, vector<200x128xf32> -> vector<200x128xf32>
    %get3A_523 = arith.constant 3 : index
    %get3A_524 = arith.constant 0 : index
    %get3A_525 = arith.constant 0 : index
    %get3A_526 = vector.load %arg1[%get3A_523, %get3A_524, %get3A_525] : memref<8x200x128xf32, #tpu.memory_space<vmem>>, vector<1x200x128xf32>
    %get3A_527 = vector.shape_cast %get3A_526 : vector<1x200x128xf32> to vector<200x128xf32>
    %mul3A_528 = arith.mulf %get3A_527, %dot_general3A_522 : vector<200x128xf32>
    %add3A_529 = arith.addf %mul3A_528, %dot_general3A_518 : vector<200x128xf32>
    %get3A_530 = arith.constant 3 : index
    %get3A_531 = arith.constant 0 : index
    %get3A_532 = arith.constant 0 : index
    %get3A_533 = vector.load %arg4[%get3A_530, %get3A_531, %get3A_532] : memref<8x200x64xf32, #tpu.memory_space<vmem>>, vector<1x200x64xf32>
    %get3A_534 = vector.shape_cast %get3A_533 : vector<1x200x64xf32> to vector<200x64xf32>
    %convert_element_type3A_535 = arith.truncf %get3A_534 : vector<200x64xf32> to vector<200x64xbf16>
    %slice3A_536 = vector.extract_strided_slice %and3A_27 {offsets = [3, 0], sizes = [1, 200], strides = [1, 1]} : vector<8x200xi32> to vector<1x200xi32>
    %eq3A_537 = vector.broadcast %slice3A_536 : vector<1x200xi32> to vector<200x200xi32>
    %eq3A_538 = arith.cmpi eq, %iota3A_40, %eq3A_537 : vector<200x200xi32>
    %convert_element_type3A_539 = arith.extui %eq3A_538 : vector<200x200xi1> to vector<200x200xi32>
    %convert_element_type3A_540 = arith.sitofp %convert_element_type3A_539 : vector<200x200xi32> to vector<200x200xf32>
    %convert_element_type3A_541 = arith.truncf %convert_element_type3A_540 : vector<200x200xf32> to vector<200x200xbf16>
    %dot_general3A_542 = arith.constant dense<0.000000e+00> : vector<200x64xf32>
    %dot_general3A_543 = tpu.matmul %convert_element_type3A_541, %convert_element_type3A_535, %dot_general3A_542 {dimension_numbers = #tpu.dot_dimension_numbers<[0], [0], [1], [1], [0, 1, 1, 1], [], []>, transpose_lhs_hint = false} : vector<200x200xbf16>, vector<200x64xbf16>, vector<200x64xf32> -> vector<200x64xf32>
    %slice3A_544 = vector.extract_strided_slice %shift_right_arithmetic3A_29 {offsets = [3, 0], sizes = [1, 200], strides = [1, 1]} : vector<8x200xi32> to vector<1x200xi32>
    %eq3A_545 = vector.broadcast %slice3A_544 : vector<1x200xi32> to vector<200x200xi32>
    %eq3A_546 = arith.cmpi eq, %iota3A_40, %eq3A_545 : vector<200x200xi32>
    %convert_element_type3A_547 = arith.extui %eq3A_546 : vector<200x200xi1> to vector<200x200xi32>
    %convert_element_type3A_548 = arith.sitofp %convert_element_type3A_547 : vector<200x200xi32> to vector<200x200xf32>
    %convert_element_type3A_549 = arith.truncf %convert_element_type3A_548 : vector<200x200xf32> to vector<200x200xbf16>
    %dot_general3A_550 = arith.constant dense<0.000000e+00> : vector<200x64xf32>
    %dot_general3A_551 = tpu.matmul %convert_element_type3A_549, %convert_element_type3A_535, %dot_general3A_550 {dimension_numbers = #tpu.dot_dimension_numbers<[0], [0], [1], [1], [0, 1, 1, 1], [], []>, transpose_lhs_hint = false} : vector<200x200xbf16>, vector<200x64xbf16>, vector<200x64xf32> -> vector<200x64xf32>
    %concatenate3A_552 = tpu.concatenate %add3A_529, %dot_general3A_543, %dot_general3A_551 in 1 : vector<200x128xf32>, vector<200x64xf32>, vector<200x64xf32> -> vector<200x256xf32>
    %reduce_sum3A_553 = arith.constant dense<0.000000e+00> : vector<200xf32>
    %reduce_sum3A_554 = vector.multi_reduction <add>, %concatenate3A_552, %reduce_sum3A_553 [1] : vector<200x256xf32> to vector<200xf32>
    %broadcast_in_dim3A_555 = vector.shape_cast %reduce_sum3A_554 : vector<200xf32> to vector<200x1xf32>
    %div3A_556 = arith.constant 2.560000e+02 : f32
    %div3A_557 = vector.broadcast %div3A_556 : f32 to vector<200x1xf32>
    %div3A_558 = arith.divf %broadcast_in_dim3A_555, %div3A_557 : vector<200x1xf32>
    %mul3A_559 = arith.mulf %concatenate3A_552, %concatenate3A_552 : vector<200x256xf32>
    %reduce_sum3A_560 = arith.constant dense<0.000000e+00> : vector<200xf32>
    %reduce_sum3A_561 = vector.multi_reduction <add>, %mul3A_559, %reduce_sum3A_560 [1] : vector<200x256xf32> to vector<200xf32>
    %broadcast_in_dim3A_562 = vector.shape_cast %reduce_sum3A_561 : vector<200xf32> to vector<200x1xf32>
    %div3A_563 = arith.constant 2.560000e+02 : f32
    %div3A_564 = vector.broadcast %div3A_563 : f32 to vector<200x1xf32>
    %div3A_565 = arith.divf %broadcast_in_dim3A_562, %div3A_564 : vector<200x1xf32>
    %mul3A_566 = arith.mulf %div3A_558, %div3A_558 : vector<200x1xf32>
    %sub3A_567 = arith.subf %div3A_565, %mul3A_566 : vector<200x1xf32>
    %add3A_568 = arith.constant 9.99999996E-13 : f32
    %add3A_569 = vector.broadcast %add3A_568 : f32 to vector<200x1xf32>
    %add3A_570 = arith.addf %sub3A_567, %add3A_569 : vector<200x1xf32>
    %rsqrt3A_571 = math.rsqrt %add3A_570 : vector<200x1xf32>
    %sub3A_572 = vector.broadcast %div3A_558 : vector<200x1xf32> to vector<200x256xf32>
    %sub3A_573 = arith.subf %concatenate3A_552, %sub3A_572 : vector<200x256xf32>
    %mul3A_574 = vector.broadcast %rsqrt3A_571 : vector<200x1xf32> to vector<200x256xf32>
    %mul3A_575 = arith.mulf %sub3A_573, %mul3A_574 : vector<200x256xf32>
    %mul3A_576 = vector.broadcast %get3A_36 : vector<1x256xf32> to vector<200x256xf32>
    %mul3A_577 = arith.mulf %mul3A_575, %mul3A_576 : vector<200x256xf32>
    %add3A_578 = vector.broadcast %get3A_39 : vector<1x256xf32> to vector<200x256xf32>
    %add3A_579 = arith.addf %mul3A_577, %add3A_578 : vector<200x256xf32>
    %swap3A_580 = arith.constant 3 : index
    %swap3A_581 = arith.constant 0 : index
    %swap3A_582 = arith.constant 0 : index
    %swap3A_583 = vector.load %arg10[%swap3A_580, %swap3A_581, %swap3A_582] : memref<8x200x256xf32, #tpu.memory_space<vmem>>, vector<1x200x256xf32>
    %swap3A_584 = vector.shape_cast %swap3A_583 : vector<1x200x256xf32> to vector<200x256xf32>
    %swap3A_585 = vector.shape_cast %add3A_579 : vector<200x256xf32> to vector<1x200x256xf32>
    tpu.vector_store %arg10[%swap3A_580, %swap3A_581, %swap3A_582], %swap3A_585 {strides = array<i32>} : memref<8x200x256xf32, #tpu.memory_space<vmem>>, vector<1x200x256xf32>,
    %slice3A_586 = vector.extract_strided_slice %get3A_1 {offsets = [4, 0], sizes = [1, 200], strides = [1, 1]} : vector<8x200xi32> to vector<1x200xi32>
    %shift_right_arithmetic3A_587 = arith.constant 0 : i32
    %shift_right_arithmetic3A_588 = vector.broadcast %shift_right_arithmetic3A_587 : i32 to vector<1x200xi32>
    %shift_right_arithmetic3A_589 = arith.shrsi %slice3A_586, %shift_right_arithmetic3A_588 : vector<1x200xi32>
    %and3A_590 = arith.constant 15 : i32
    %and3A_591 = vector.broadcast %and3A_590 : i32 to vector<1x200xi32>
    %and3A_592 = arith.andi %shift_right_arithmetic3A_589, %and3A_591 : vector<1x200xi32>
    %eq3A_593 = vector.broadcast %and3A_592 : vector<1x200xi32> to vector<16x200xi32>
    %eq3A_594 = arith.cmpi eq, %iota3A, %eq3A_593 : vector<16x200xi32>
    %shift_right_arithmetic3A_595 = arith.constant 4 : i32
    %shift_right_arithmetic3A_596 = vector.broadcast %shift_right_arithmetic3A_595 : i32 to vector<1x200xi32>
    %shift_right_arithmetic3A_597 = arith.shrsi %slice3A_586, %shift_right_arithmetic3A_596 : vector<1x200xi32>
    %and3A_598 = arith.constant 15 : i32
    %and3A_599 = vector.broadcast %and3A_598 : i32 to vector<1x200xi32>
    %and3A_600 = arith.andi %shift_right_arithmetic3A_597, %and3A_599 : vector<1x200xi32>
    %eq3A_601 = vector.broadcast %and3A_600 : vector<1x200xi32> to vector<16x200xi32>
    %eq3A_602 = arith.cmpi eq, %iota3A, %eq3A_601 : vector<16x200xi32>
    %shift_right_arithmetic3A_603 = arith.constant 8 : i32
    %shift_right_arithmetic3A_604 = vector.broadcast %shift_right_arithmetic3A_603 : i32 to vector<1x200xi32>
    %shift_right_arithmetic3A_605 = arith.shrsi %slice3A_586, %shift_right_arithmetic3A_604 : vector<1x200xi32>
    %and3A_606 = arith.constant 15 : i32
    %and3A_607 = vector.broadcast %and3A_606 : i32 to vector<1x200xi32>
    %and3A_608 = arith.andi %shift_right_arithmetic3A_605, %and3A_607 : vector<1x200xi32>
    %eq3A_609 = vector.broadcast %and3A_608 : vector<1x200xi32> to vector<16x200xi32>
    %eq3A_610 = arith.cmpi eq, %iota3A, %eq3A_609 : vector<16x200xi32>
    %shift_right_arithmetic3A_611 = arith.constant 12 : i32
    %shift_right_arithmetic3A_612 = vector.broadcast %shift_right_arithmetic3A_611 : i32 to vector<1x200xi32>
    %shift_right_arithmetic3A_613 = arith.shrsi %slice3A_586, %shift_right_arithmetic3A_612 : vector<1x200xi32>
    %and3A_614 = arith.constant 15 : i32
    %and3A_615 = vector.broadcast %and3A_614 : i32 to vector<1x200xi32>
    %and3A_616 = arith.andi %shift_right_arithmetic3A_613, %and3A_615 : vector<1x200xi32>
    %eq3A_617 = vector.broadcast %and3A_616 : vector<1x200xi32> to vector<16x200xi32>
    %eq3A_618 = arith.cmpi eq, %iota3A, %eq3A_617 : vector<16x200xi32>
    %shift_right_arithmetic3A_619 = arith.constant 16 : i32
    %shift_right_arithmetic3A_620 = vector.broadcast %shift_right_arithmetic3A_619 : i32 to vector<1x200xi32>
    %shift_right_arithmetic3A_621 = arith.shrsi %slice3A_586, %shift_right_arithmetic3A_620 : vector<1x200xi32>
    %and3A_622 = arith.constant 15 : i32
    %and3A_623 = vector.broadcast %and3A_622 : i32 to vector<1x200xi32>
    %and3A_624 = arith.andi %shift_right_arithmetic3A_621, %and3A_623 : vector<1x200xi32>
    %eq3A_625 = vector.broadcast %and3A_624 : vector<1x200xi32> to vector<16x200xi32>
    %eq3A_626 = arith.cmpi eq, %iota3A, %eq3A_625 : vector<16x200xi32>
    %shift_right_arithmetic3A_627 = arith.constant 20 : i32
    %shift_right_arithmetic3A_628 = vector.broadcast %shift_right_arithmetic3A_627 : i32 to vector<1x200xi32>
    %shift_right_arithmetic3A_629 = arith.shrsi %slice3A_586, %shift_right_arithmetic3A_628 : vector<1x200xi32>
    %and3A_630 = arith.constant 15 : i32
    %and3A_631 = vector.broadcast %and3A_630 : i32 to vector<1x200xi32>
    %and3A_632 = arith.andi %shift_right_arithmetic3A_629, %and3A_631 : vector<1x200xi32>
    %eq3A_633 = vector.broadcast %and3A_632 : vector<1x200xi32> to vector<16x200xi32>
    %eq3A_634 = arith.cmpi eq, %iota3A, %eq3A_633 : vector<16x200xi32>
    %shift_right_arithmetic3A_635 = arith.constant 24 : i32
    %shift_right_arithmetic3A_636 = vector.broadcast %shift_right_arithmetic3A_635 : i32 to vector<1x200xi32>
    %shift_right_arithmetic3A_637 = arith.shrsi %slice3A_586, %shift_right_arithmetic3A_636 : vector<1x200xi32>
    %and3A_638 = arith.constant 15 : i32
    %and3A_639 = vector.broadcast %and3A_638 : i32 to vector<1x200xi32>
    %and3A_640 = arith.andi %shift_right_arithmetic3A_637, %and3A_639 : vector<1x200xi32>
    %eq3A_641 = vector.broadcast %and3A_640 : vector<1x200xi32> to vector<16x200xi32>
    %eq3A_642 = arith.cmpi eq, %iota3A, %eq3A_641 : vector<16x200xi32>
    %shift_right_arithmetic3A_643 = arith.constant 28 : i32
    %shift_right_arithmetic3A_644 = vector.broadcast %shift_right_arithmetic3A_643 : i32 to vector<1x200xi32>
    %shift_right_arithmetic3A_645 = arith.shrsi %slice3A_586, %shift_right_arithmetic3A_644 : vector<1x200xi32>
    %and3A_646 = arith.constant 15 : i32
    %and3A_647 = vector.broadcast %and3A_646 : i32 to vector<1x200xi32>
    %and3A_648 = arith.andi %shift_right_arithmetic3A_645, %and3A_647 : vector<1x200xi32>
    %eq3A_649 = vector.broadcast %and3A_648 : vector<1x200xi32> to vector<16x200xi32>
    %eq3A_650 = arith.cmpi eq, %iota3A, %eq3A_649 : vector<16x200xi32>
    %concatenate3A_651 = tpu.concatenate %eq3A_594, %eq3A_602, %eq3A_610, %eq3A_618, %eq3A_626, %eq3A_634, %eq3A_642, %eq3A_650 in 0 : vector<16x200xi1>, vector<16x200xi1>, vector<16x200xi1>, vector<16x200xi1>, vector<16x200xi1>, vector<16x200xi1>, vector<16x200xi1>, vector<16x200xi1> -> vector<128x200xi1>
    %convert_element_type3A_652 = arith.extui %concatenate3A_651 : vector<128x200xi1> to vector<128x200xi32>
    %convert_element_type3A_653 = arith.sitofp %convert_element_type3A_652 : vector<128x200xi32> to vector<128x200xf32>
    %convert_element_type3A_654 = arith.truncf %convert_element_type3A_653 : vector<128x200xf32> to vector<128x200xbf16>
    %dot_general3A_655 = arith.constant dense<0.000000e+00> : vector<200x128xf32>
    %dot_general3A_656 = tpu.matmul %convert_element_type3A_654, %convert_element_type3A_33, %dot_general3A_655 {dimension_numbers = #tpu.dot_dimension_numbers<[0], [0], [1], [1], [0, 1, 1, 1], [], []>, transpose_lhs_hint = false} : vector<128x200xbf16>, vector<128x128xbf16>, vector<200x128xf32> -> vector<200x128xf32>
    %slice3A_657 = vector.extract_strided_slice %add3A_24 {offsets = [4, 0], sizes = [1, 200], strides = [1, 1]} : vector<8x200xf32> to vector<1x200xf32>
    %convert_element_type3A_658 = arith.truncf %slice3A_657 : vector<1x200xf32> to vector<1x200xbf16>
    %dot_general3A_659 = arith.constant dense<0.000000e+00> : vector<200x128xf32>
    %dot_general3A_660 = tpu.matmul %convert_element_type3A_658, %broadcast_in_dim3A_41, %dot_general3A_659 {dimension_numbers = #tpu.dot_dimension_numbers<[0], [0], [1], [1], [0, 1, 1, 1], [], []>, transpose_lhs_hint = false} : vector<1x200xbf16>, vector<1x128xbf16>, vector<200x128xf32> -> vector<200x128xf32>
    %get3A_661 = arith.constant 4 : index
    %get3A_662 = arith.constant 0 : index
    %get3A_663 = arith.constant 0 : index
    %get3A_664 = vector.load %arg1[%get3A_661, %get3A_662, %get3A_663] : memref<8x200x128xf32, #tpu.memory_space<vmem>>, vector<1x200x128xf32>
    %get3A_665 = vector.shape_cast %get3A_664 : vector<1x200x128xf32> to vector<200x128xf32>
    %mul3A_666 = arith.mulf %get3A_665, %dot_general3A_660 : vector<200x128xf32>
    %add3A_667 = arith.addf %mul3A_666, %dot_general3A_656 : vector<200x128xf32>
    %get3A_668 = arith.constant 4 : index
    %get3A_669 = arith.constant 0 : index
    %get3A_670 = arith.constant 0 : index
    %get3A_671 = vector.load %arg4[%get3A_668, %get3A_669, %get3A_670] : memref<8x200x64xf32, #tpu.memory_space<vmem>>, vector<1x200x64xf32>
    %get3A_672 = vector.shape_cast %get3A_671 : vector<1x200x64xf32> to vector<200x64xf32>
    %convert_element_type3A_673 = arith.truncf %get3A_672 : vector<200x64xf32> to vector<200x64xbf16>
    %slice3A_674 = vector.extract_strided_slice %and3A_27 {offsets = [4, 0], sizes = [1, 200], strides = [1, 1]} : vector<8x200xi32> to vector<1x200xi32>
    %eq3A_675 = vector.broadcast %slice3A_674 : vector<1x200xi32> to vector<200x200xi32>
    %eq3A_676 = arith.cmpi eq, %iota3A_40, %eq3A_675 : vector<200x200xi32>
    %convert_element_type3A_677 = arith.extui %eq3A_676 : vector<200x200xi1> to vector<200x200xi32>
    %convert_element_type3A_678 = arith.sitofp %convert_element_type3A_677 : vector<200x200xi32> to vector<200x200xf32>
    %convert_element_type3A_679 = arith.truncf %convert_element_type3A_678 : vector<200x200xf32> to vector<200x200xbf16>
    %dot_general3A_680 = arith.constant dense<0.000000e+00> : vector<200x64xf32>
    %dot_general3A_681 = tpu.matmul %convert_element_type3A_679, %convert_element_type3A_673, %dot_general3A_680 {dimension_numbers = #tpu.dot_dimension_numbers<[0], [0], [1], [1], [0, 1, 1, 1], [], []>, transpose_lhs_hint = false} : vector<200x200xbf16>, vector<200x64xbf16>, vector<200x64xf32> -> vector<200x64xf32>
    %slice3A_682 = vector.extract_strided_slice %shift_right_arithmetic3A_29 {offsets = [4, 0], sizes = [1, 200], strides = [1, 1]} : vector<8x200xi32> to vector<1x200xi32>
    %eq3A_683 = vector.broadcast %slice3A_682 : vector<1x200xi32> to vector<200x200xi32>
    %eq3A_684 = arith.cmpi eq, %iota3A_40, %eq3A_683 : vector<200x200xi32>
    %convert_element_type3A_685 = arith.extui %eq3A_684 : vector<200x200xi1> to vector<200x200xi32>
    %convert_element_type3A_686 = arith.sitofp %convert_element_type3A_685 : vector<200x200xi32> to vector<200x200xf32>
    %convert_element_type3A_687 = arith.truncf %convert_element_type3A_686 : vector<200x200xf32> to vector<200x200xbf16>
    %dot_general3A_688 = arith.constant dense<0.000000e+00> : vector<200x64xf32>
    %dot_general3A_689 = tpu.matmul %convert_element_type3A_687, %convert_element_type3A_673, %dot_general3A_688 {dimension_numbers = #tpu.dot_dimension_numbers<[0], [0], [1], [1], [0, 1, 1, 1], [], []>, transpose_lhs_hint = false} : vector<200x200xbf16>, vector<200x64xbf16>, vector<200x64xf32> -> vector<200x64xf32>
    %concatenate3A_690 = tpu.concatenate %add3A_667, %dot_general3A_681, %dot_general3A_689 in 1 : vector<200x128xf32>, vector<200x64xf32>, vector<200x64xf32> -> vector<200x256xf32>
    %reduce_sum3A_691 = arith.constant dense<0.000000e+00> : vector<200xf32>
    %reduce_sum3A_692 = vector.multi_reduction <add>, %concatenate3A_690, %reduce_sum3A_691 [1] : vector<200x256xf32> to vector<200xf32>
    %broadcast_in_dim3A_693 = vector.shape_cast %reduce_sum3A_692 : vector<200xf32> to vector<200x1xf32>
    %div3A_694 = arith.constant 2.560000e+02 : f32
    %div3A_695 = vector.broadcast %div3A_694 : f32 to vector<200x1xf32>
    %div3A_696 = arith.divf %broadcast_in_dim3A_693, %div3A_695 : vector<200x1xf32>
    %mul3A_697 = arith.mulf %concatenate3A_690, %concatenate3A_690 : vector<200x256xf32>
    %reduce_sum3A_698 = arith.constant dense<0.000000e+00> : vector<200xf32>
    %reduce_sum3A_699 = vector.multi_reduction <add>, %mul3A_697, %reduce_sum3A_698 [1] : vector<200x256xf32> to vector<200xf32>
    %broadcast_in_dim3A_700 = vector.shape_cast %reduce_sum3A_699 : vector<200xf32> to vector<200x1xf32>
    %div3A_701 = arith.constant 2.560000e+02 : f32
    %div3A_702 = vector.broadcast %div3A_701 : f32 to vector<200x1xf32>
    %div3A_703 = arith.divf %broadcast_in_dim3A_700, %div3A_702 : vector<200x1xf32>
    %mul3A_704 = arith.mulf %div3A_696, %div3A_696 : vector<200x1xf32>
    %sub3A_705 = arith.subf %div3A_703, %mul3A_704 : vector<200x1xf32>
    %add3A_706 = arith.constant 9.99999996E-13 : f32
    %add3A_707 = vector.broadcast %add3A_706 : f32 to vector<200x1xf32>
    %add3A_708 = arith.addf %sub3A_705, %add3A_707 : vector<200x1xf32>
    %rsqrt3A_709 = math.rsqrt %add3A_708 : vector<200x1xf32>
    %sub3A_710 = vector.broadcast %div3A_696 : vector<200x1xf32> to vector<200x256xf32>
    %sub3A_711 = arith.subf %concatenate3A_690, %sub3A_710 : vector<200x256xf32>
    %mul3A_712 = vector.broadcast %rsqrt3A_709 : vector<200x1xf32> to vector<200x256xf32>
    %mul3A_713 = arith.mulf %sub3A_711, %mul3A_712 : vector<200x256xf32>
    %mul3A_714 = vector.broadcast %get3A_36 : vector<1x256xf32> to vector<200x256xf32>
    %mul3A_715 = arith.mulf %mul3A_713, %mul3A_714 : vector<200x256xf32>
    %add3A_716 = vector.broadcast %get3A_39 : vector<1x256xf32> to vector<200x256xf32>
    %add3A_717 = arith.addf %mul3A_715, %add3A_716 : vector<200x256xf32>
    %swap3A_718 = arith.constant 4 : index
    %swap3A_719 = arith.constant 0 : index
    %swap3A_720 = arith.constant 0 : index
    %swap3A_721 = vector.load %arg10[%swap3A_718, %swap3A_719, %swap3A_720] : memref<8x200x256xf32, #tpu.memory_space<vmem>>, vector<1x200x256xf32>
    %swap3A_722 = vector.shape_cast %swap3A_721 : vector<1x200x256xf32> to vector<200x256xf32>
    %swap3A_723 = vector.shape_cast %add3A_717 : vector<200x256xf32> to vector<1x200x256xf32>
    tpu.vector_store %arg10[%swap3A_718, %swap3A_719, %swap3A_720], %swap3A_723 {strides = array<i32>} : memref<8x200x256xf32, #tpu.memory_space<vmem>>, vector<1x200x256xf32>,
    %slice3A_724 = vector.extract_strided_slice %get3A_1 {offsets = [5, 0], sizes = [1, 200], strides = [1, 1]} : vector<8x200xi32> to vector<1x200xi32>
    %shift_right_arithmetic3A_725 = arith.constant 0 : i32
    %shift_right_arithmetic3A_726 = vector.broadcast %shift_right_arithmetic3A_725 : i32 to vector<1x200xi32>
    %shift_right_arithmetic3A_727 = arith.shrsi %slice3A_724, %shift_right_arithmetic3A_726 : vector<1x200xi32>
    %and3A_728 = arith.constant 15 : i32
    %and3A_729 = vector.broadcast %and3A_728 : i32 to vector<1x200xi32>
    %and3A_730 = arith.andi %shift_right_arithmetic3A_727, %and3A_729 : vector<1x200xi32>
    %eq3A_731 = vector.broadcast %and3A_730 : vector<1x200xi32> to vector<16x200xi32>
    %eq3A_732 = arith.cmpi eq, %iota3A, %eq3A_731 : vector<16x200xi32>
    %shift_right_arithmetic3A_733 = arith.constant 4 : i32
    %shift_right_arithmetic3A_734 = vector.broadcast %shift_right_arithmetic3A_733 : i32 to vector<1x200xi32>
    %shift_right_arithmetic3A_735 = arith.shrsi %slice3A_724, %shift_right_arithmetic3A_734 : vector<1x200xi32>
    %and3A_736 = arith.constant 15 : i32
    %and3A_737 = vector.broadcast %and3A_736 : i32 to vector<1x200xi32>
    %and3A_738 = arith.andi %shift_right_arithmetic3A_735, %and3A_737 : vector<1x200xi32>
    %eq3A_739 = vector.broadcast %and3A_738 : vector<1x200xi32> to vector<16x200xi32>
    %eq3A_740 = arith.cmpi eq, %iota3A, %eq3A_739 : vector<16x200xi32>
    %shift_right_arithmetic3A_741 = arith.constant 8 : i32
    %shift_right_arithmetic3A_742 = vector.broadcast %shift_right_arithmetic3A_741 : i32 to vector<1x200xi32>
    %shift_right_arithmetic3A_743 = arith.shrsi %slice3A_724, %shift_right_arithmetic3A_742 : vector<1x200xi32>
    %and3A_744 = arith.constant 15 : i32
    %and3A_745 = vector.broadcast %and3A_744 : i32 to vector<1x200xi32>
    %and3A_746 = arith.andi %shift_right_arithmetic3A_743, %and3A_745 : vector<1x200xi32>
    %eq3A_747 = vector.broadcast %and3A_746 : vector<1x200xi32> to vector<16x200xi32>
    %eq3A_748 = arith.cmpi eq, %iota3A, %eq3A_747 : vector<16x200xi32>
    %shift_right_arithmetic3A_749 = arith.constant 12 : i32
    %shift_right_arithmetic3A_750 = vector.broadcast %shift_right_arithmetic3A_749 : i32 to vector<1x200xi32>
    %shift_right_arithmetic3A_751 = arith.shrsi %slice3A_724, %shift_right_arithmetic3A_750 : vector<1x200xi32>
    %and3A_752 = arith.constant 15 : i32
    %and3A_753 = vector.broadcast %and3A_752 : i32 to vector<1x200xi32>
    %and3A_754 = arith.andi %shift_right_arithmetic3A_751, %and3A_753 : vector<1x200xi32>
    %eq3A_755 = vector.broadcast %and3A_754 : vector<1x200xi32> to vector<16x200xi32>
    %eq3A_756 = arith.cmpi eq, %iota3A, %eq3A_755 : vector<16x200xi32>
    %shift_right_arithmetic3A_757 = arith.constant 16 : i32
    %shift_right_arithmetic3A_758 = vector.broadcast %shift_right_arithmetic3A_757 : i32 to vector<1x200xi32>
    %shift_right_arithmetic3A_759 = arith.shrsi %slice3A_724, %shift_right_arithmetic3A_758 : vector<1x200xi32>
    %and3A_760 = arith.constant 15 : i32
    %and3A_761 = vector.broadcast %and3A_760 : i32 to vector<1x200xi32>
    %and3A_762 = arith.andi %shift_right_arithmetic3A_759, %and3A_761 : vector<1x200xi32>
    %eq3A_763 = vector.broadcast %and3A_762 : vector<1x200xi32> to vector<16x200xi32>
    %eq3A_764 = arith.cmpi eq, %iota3A, %eq3A_763 : vector<16x200xi32>
    %shift_right_arithmetic3A_765 = arith.constant 20 : i32
    %shift_right_arithmetic3A_766 = vector.broadcast %shift_right_arithmetic3A_765 : i32 to vector<1x200xi32>
    %shift_right_arithmetic3A_767 = arith.shrsi %slice3A_724, %shift_right_arithmetic3A_766 : vector<1x200xi32>
    %and3A_768 = arith.constant 15 : i32
    %and3A_769 = vector.broadcast %and3A_768 : i32 to vector<1x200xi32>
    %and3A_770 = arith.andi %shift_right_arithmetic3A_767, %and3A_769 : vector<1x200xi32>
    %eq3A_771 = vector.broadcast %and3A_770 : vector<1x200xi32> to vector<16x200xi32>
    %eq3A_772 = arith.cmpi eq, %iota3A, %eq3A_771 : vector<16x200xi32>
    %shift_right_arithmetic3A_773 = arith.constant 24 : i32
    %shift_right_arithmetic3A_774 = vector.broadcast %shift_right_arithmetic3A_773 : i32 to vector<1x200xi32>
    %shift_right_arithmetic3A_775 = arith.shrsi %slice3A_724, %shift_right_arithmetic3A_774 : vector<1x200xi32>
    %and3A_776 = arith.constant 15 : i32
    %and3A_777 = vector.broadcast %and3A_776 : i32 to vector<1x200xi32>
    %and3A_778 = arith.andi %shift_right_arithmetic3A_775, %and3A_777 : vector<1x200xi32>
    %eq3A_779 = vector.broadcast %and3A_778 : vector<1x200xi32> to vector<16x200xi32>
    %eq3A_780 = arith.cmpi eq, %iota3A, %eq3A_779 : vector<16x200xi32>
    %shift_right_arithmetic3A_781 = arith.constant 28 : i32
    %shift_right_arithmetic3A_782 = vector.broadcast %shift_right_arithmetic3A_781 : i32 to vector<1x200xi32>
    %shift_right_arithmetic3A_783 = arith.shrsi %slice3A_724, %shift_right_arithmetic3A_782 : vector<1x200xi32>
    %and3A_784 = arith.constant 15 : i32
    %and3A_785 = vector.broadcast %and3A_784 : i32 to vector<1x200xi32>
    %and3A_786 = arith.andi %shift_right_arithmetic3A_783, %and3A_785 : vector<1x200xi32>
    %eq3A_787 = vector.broadcast %and3A_786 : vector<1x200xi32> to vector<16x200xi32>
    %eq3A_788 = arith.cmpi eq, %iota3A, %eq3A_787 : vector<16x200xi32>
    %concatenate3A_789 = tpu.concatenate %eq3A_732, %eq3A_740, %eq3A_748, %eq3A_756, %eq3A_764, %eq3A_772, %eq3A_780, %eq3A_788 in 0 : vector<16x200xi1>, vector<16x200xi1>, vector<16x200xi1>, vector<16x200xi1>, vector<16x200xi1>, vector<16x200xi1>, vector<16x200xi1>, vector<16x200xi1> -> vector<128x200xi1>
    %convert_element_type3A_790 = arith.extui %concatenate3A_789 : vector<128x200xi1> to vector<128x200xi32>
    %convert_element_type3A_791 = arith.sitofp %convert_element_type3A_790 : vector<128x200xi32> to vector<128x200xf32>
    %convert_element_type3A_792 = arith.truncf %convert_element_type3A_791 : vector<128x200xf32> to vector<128x200xbf16>
    %dot_general3A_793 = arith.constant dense<0.000000e+00> : vector<200x128xf32>
    %dot_general3A_794 = tpu.matmul %convert_element_type3A_792, %convert_element_type3A_33, %dot_general3A_793 {dimension_numbers = #tpu.dot_dimension_numbers<[0], [0], [1], [1], [0, 1, 1, 1], [], []>, transpose_lhs_hint = false} : vector<128x200xbf16>, vector<128x128xbf16>, vector<200x128xf32> -> vector<200x128xf32>
    %slice3A_795 = vector.extract_strided_slice %add3A_24 {offsets = [5, 0], sizes = [1, 200], strides = [1, 1]} : vector<8x200xf32> to vector<1x200xf32>
    %convert_element_type3A_796 = arith.truncf %slice3A_795 : vector<1x200xf32> to vector<1x200xbf16>
    %dot_general3A_797 = arith.constant dense<0.000000e+00> : vector<200x128xf32>
    %dot_general3A_798 = tpu.matmul %convert_element_type3A_796, %broadcast_in_dim3A_41, %dot_general3A_797 {dimension_numbers = #tpu.dot_dimension_numbers<[0], [0], [1], [1], [0, 1, 1, 1], [], []>, transpose_lhs_hint = false} : vector<1x200xbf16>, vector<1x128xbf16>, vector<200x128xf32> -> vector<200x128xf32>
    %get3A_799 = arith.constant 5 : index
    %get3A_800 = arith.constant 0 : index
    %get3A_801 = arith.constant 0 : index
    %get3A_802 = vector.load %arg1[%get3A_799, %get3A_800, %get3A_801] : memref<8x200x128xf32, #tpu.memory_space<vmem>>, vector<1x200x128xf32>
    %get3A_803 = vector.shape_cast %get3A_802 : vector<1x200x128xf32> to vector<200x128xf32>
    %mul3A_804 = arith.mulf %get3A_803, %dot_general3A_798 : vector<200x128xf32>
    %add3A_805 = arith.addf %mul3A_804, %dot_general3A_794 : vector<200x128xf32>
    %get3A_806 = arith.constant 5 : index
    %get3A_807 = arith.constant 0 : index
    %get3A_808 = arith.constant 0 : index
    %get3A_809 = vector.load %arg4[%get3A_806, %get3A_807, %get3A_808] : memref<8x200x64xf32, #tpu.memory_space<vmem>>, vector<1x200x64xf32>
    %get3A_810 = vector.shape_cast %get3A_809 : vector<1x200x64xf32> to vector<200x64xf32>
    %convert_element_type3A_811 = arith.truncf %get3A_810 : vector<200x64xf32> to vector<200x64xbf16>
    %slice3A_812 = vector.extract_strided_slice %and3A_27 {offsets = [5, 0], sizes = [1, 200], strides = [1, 1]} : vector<8x200xi32> to vector<1x200xi32>
    %eq3A_813 = vector.broadcast %slice3A_812 : vector<1x200xi32> to vector<200x200xi32>
    %eq3A_814 = arith.cmpi eq, %iota3A_40, %eq3A_813 : vector<200x200xi32>
    %convert_element_type3A_815 = arith.extui %eq3A_814 : vector<200x200xi1> to vector<200x200xi32>
    %convert_element_type3A_816 = arith.sitofp %convert_element_type3A_815 : vector<200x200xi32> to vector<200x200xf32>
    %convert_element_type3A_817 = arith.truncf %convert_element_type3A_816 : vector<200x200xf32> to vector<200x200xbf16>
    %dot_general3A_818 = arith.constant dense<0.000000e+00> : vector<200x64xf32>
    %dot_general3A_819 = tpu.matmul %convert_element_type3A_817, %convert_element_type3A_811, %dot_general3A_818 {dimension_numbers = #tpu.dot_dimension_numbers<[0], [0], [1], [1], [0, 1, 1, 1], [], []>, transpose_lhs_hint = false} : vector<200x200xbf16>, vector<200x64xbf16>, vector<200x64xf32> -> vector<200x64xf32>
    %slice3A_820 = vector.extract_strided_slice %shift_right_arithmetic3A_29 {offsets = [5, 0], sizes = [1, 200], strides = [1, 1]} : vector<8x200xi32> to vector<1x200xi32>
    %eq3A_821 = vector.broadcast %slice3A_820 : vector<1x200xi32> to vector<200x200xi32>
    %eq3A_822 = arith.cmpi eq, %iota3A_40, %eq3A_821 : vector<200x200xi32>
    %convert_element_type3A_823 = arith.extui %eq3A_822 : vector<200x200xi1> to vector<200x200xi32>
    %convert_element_type3A_824 = arith.sitofp %convert_element_type3A_823 : vector<200x200xi32> to vector<200x200xf32>
    %convert_element_type3A_825 = arith.truncf %convert_element_type3A_824 : vector<200x200xf32> to vector<200x200xbf16>
    %dot_general3A_826 = arith.constant dense<0.000000e+00> : vector<200x64xf32>
    %dot_general3A_827 = tpu.matmul %convert_element_type3A_825, %convert_element_type3A_811, %dot_general3A_826 {dimension_numbers = #tpu.dot_dimension_numbers<[0], [0], [1], [1], [0, 1, 1, 1], [], []>, transpose_lhs_hint = false} : vector<200x200xbf16>, vector<200x64xbf16>, vector<200x64xf32> -> vector<200x64xf32>
    %concatenate3A_828 = tpu.concatenate %add3A_805, %dot_general3A_819, %dot_general3A_827 in 1 : vector<200x128xf32>, vector<200x64xf32>, vector<200x64xf32> -> vector<200x256xf32>
    %reduce_sum3A_829 = arith.constant dense<0.000000e+00> : vector<200xf32>
    %reduce_sum3A_830 = vector.multi_reduction <add>, %concatenate3A_828, %reduce_sum3A_829 [1] : vector<200x256xf32> to vector<200xf32>
    %broadcast_in_dim3A_831 = vector.shape_cast %reduce_sum3A_830 : vector<200xf32> to vector<200x1xf32>
    %div3A_832 = arith.constant 2.560000e+02 : f32
    %div3A_833 = vector.broadcast %div3A_832 : f32 to vector<200x1xf32>
    %div3A_834 = arith.divf %broadcast_in_dim3A_831, %div3A_833 : vector<200x1xf32>
    %mul3A_835 = arith.mulf %concatenate3A_828, %concatenate3A_828 : vector<200x256xf32>
    %reduce_sum3A_836 = arith.constant dense<0.000000e+00> : vector<200xf32>
    %reduce_sum3A_837 = vector.multi_reduction <add>, %mul3A_835, %reduce_sum3A_836 [1] : vector<200x256xf32> to vector<200xf32>
    %broadcast_in_dim3A_838 = vector.shape_cast %reduce_sum3A_837 : vector<200xf32> to vector<200x1xf32>
    %div3A_839 = arith.constant 2.560000e+02 : f32
    %div3A_840 = vector.broadcast %div3A_839 : f32 to vector<200x1xf32>
    %div3A_841 = arith.divf %broadcast_in_dim3A_838, %div3A_840 : vector<200x1xf32>
    %mul3A_842 = arith.mulf %div3A_834, %div3A_834 : vector<200x1xf32>
    %sub3A_843 = arith.subf %div3A_841, %mul3A_842 : vector<200x1xf32>
    %add3A_844 = arith.constant 9.99999996E-13 : f32
    %add3A_845 = vector.broadcast %add3A_844 : f32 to vector<200x1xf32>
    %add3A_846 = arith.addf %sub3A_843, %add3A_845 : vector<200x1xf32>
    %rsqrt3A_847 = math.rsqrt %add3A_846 : vector<200x1xf32>
    %sub3A_848 = vector.broadcast %div3A_834 : vector<200x1xf32> to vector<200x256xf32>
    %sub3A_849 = arith.subf %concatenate3A_828, %sub3A_848 : vector<200x256xf32>
    %mul3A_850 = vector.broadcast %rsqrt3A_847 : vector<200x1xf32> to vector<200x256xf32>
    %mul3A_851 = arith.mulf %sub3A_849, %mul3A_850 : vector<200x256xf32>
    %mul3A_852 = vector.broadcast %get3A_36 : vector<1x256xf32> to vector<200x256xf32>
    %mul3A_853 = arith.mulf %mul3A_851, %mul3A_852 : vector<200x256xf32>
    %add3A_854 = vector.broadcast %get3A_39 : vector<1x256xf32> to vector<200x256xf32>
    %add3A_855 = arith.addf %mul3A_853, %add3A_854 : vector<200x256xf32>
    %swap3A_856 = arith.constant 5 : index
    %swap3A_857 = arith.constant 0 : index
    %swap3A_858 = arith.constant 0 : index
    %swap3A_859 = vector.load %arg10[%swap3A_856, %swap3A_857, %swap3A_858] : memref<8x200x256xf32, #tpu.memory_space<vmem>>, vector<1x200x256xf32>
    %swap3A_860 = vector.shape_cast %swap3A_859 : vector<1x200x256xf32> to vector<200x256xf32>
    %swap3A_861 = vector.shape_cast %add3A_855 : vector<200x256xf32> to vector<1x200x256xf32>
    tpu.vector_store %arg10[%swap3A_856, %swap3A_857, %swap3A_858], %swap3A_861 {strides = array<i32>} : memref<8x200x256xf32, #tpu.memory_space<vmem>>, vector<1x200x256xf32>,
    %slice3A_862 = vector.extract_strided_slice %get3A_1 {offsets = [6, 0], sizes = [1, 200], strides = [1, 1]} : vector<8x200xi32> to vector<1x200xi32>
    %shift_right_arithmetic3A_863 = arith.constant 0 : i32
    %shift_right_arithmetic3A_864 = vector.broadcast %shift_right_arithmetic3A_863 : i32 to vector<1x200xi32>
    %shift_right_arithmetic3A_865 = arith.shrsi %slice3A_862, %shift_right_arithmetic3A_864 : vector<1x200xi32>
    %and3A_866 = arith.constant 15 : i32
    %and3A_867 = vector.broadcast %and3A_866 : i32 to vector<1x200xi32>
    %and3A_868 = arith.andi %shift_right_arithmetic3A_865, %and3A_867 : vector<1x200xi32>
    %eq3A_869 = vector.broadcast %and3A_868 : vector<1x200xi32> to vector<16x200xi32>
    %eq3A_870 = arith.cmpi eq, %iota3A, %eq3A_869 : vector<16x200xi32>
    %shift_right_arithmetic3A_871 = arith.constant 4 : i32
    %shift_right_arithmetic3A_872 = vector.broadcast %shift_right_arithmetic3A_871 : i32 to vector<1x200xi32>
    %shift_right_arithmetic3A_873 = arith.shrsi %slice3A_862, %shift_right_arithmetic3A_872 : vector<1x200xi32>
    %and3A_874 = arith.constant 15 : i32
    %and3A_875 = vector.broadcast %and3A_874 : i32 to vector<1x200xi32>
    %and3A_876 = arith.andi %shift_right_arithmetic3A_873, %and3A_875 : vector<1x200xi32>
    %eq3A_877 = vector.broadcast %and3A_876 : vector<1x200xi32> to vector<16x200xi32>
    %eq3A_878 = arith.cmpi eq, %iota3A, %eq3A_877 : vector<16x200xi32>
    %shift_right_arithmetic3A_879 = arith.constant 8 : i32
    %shift_right_arithmetic3A_880 = vector.broadcast %shift_right_arithmetic3A_879 : i32 to vector<1x200xi32>
    %shift_right_arithmetic3A_881 = arith.shrsi %slice3A_862, %shift_right_arithmetic3A_880 : vector<1x200xi32>
    %and3A_882 = arith.constant 15 : i32
    %and3A_883 = vector.broadcast %and3A_882 : i32 to vector<1x200xi32>
    %and3A_884 = arith.andi %shift_right_arithmetic3A_881, %and3A_883 : vector<1x200xi32>
    %eq3A_885 = vector.broadcast %and3A_884 : vector<1x200xi32> to vector<16x200xi32>
    %eq3A_886 = arith.cmpi eq, %iota3A, %eq3A_885 : vector<16x200xi32>
    %shift_right_arithmetic3A_887 = arith.constant 12 : i32
    %shift_right_arithmetic3A_888 = vector.broadcast %shift_right_arithmetic3A_887 : i32 to vector<1x200xi32>
    %shift_right_arithmetic3A_889 = arith.shrsi %slice3A_862, %shift_right_arithmetic3A_888 : vector<1x200xi32>
    %and3A_890 = arith.constant 15 : i32
    %and3A_891 = vector.broadcast %and3A_890 : i32 to vector<1x200xi32>
    %and3A_892 = arith.andi %shift_right_arithmetic3A_889, %and3A_891 : vector<1x200xi32>
    %eq3A_893 = vector.broadcast %and3A_892 : vector<1x200xi32> to vector<16x200xi32>
    %eq3A_894 = arith.cmpi eq, %iota3A, %eq3A_893 : vector<16x200xi32>
    %shift_right_arithmetic3A_895 = arith.constant 16 : i32
    %shift_right_arithmetic3A_896 = vector.broadcast %shift_right_arithmetic3A_895 : i32 to vector<1x200xi32>
    %shift_right_arithmetic3A_897 = arith.shrsi %slice3A_862, %shift_right_arithmetic3A_896 : vector<1x200xi32>
    %and3A_898 = arith.constant 15 : i32
    %and3A_899 = vector.broadcast %and3A_898 : i32 to vector<1x200xi32>
    %and3A_900 = arith.andi %shift_right_arithmetic3A_897, %and3A_899 : vector<1x200xi32>
    %eq3A_901 = vector.broadcast %and3A_900 : vector<1x200xi32> to vector<16x200xi32>
    %eq3A_902 = arith.cmpi eq, %iota3A, %eq3A_901 : vector<16x200xi32>
    %shift_right_arithmetic3A_903 = arith.constant 20 : i32
    %shift_right_arithmetic3A_904 = vector.broadcast %shift_right_arithmetic3A_903 : i32 to vector<1x200xi32>
    %shift_right_arithmetic3A_905 = arith.shrsi %slice3A_862, %shift_right_arithmetic3A_904 : vector<1x200xi32>
    %and3A_906 = arith.constant 15 : i32
    %and3A_907 = vector.broadcast %and3A_906 : i32 to vector<1x200xi32>
    %and3A_908 = arith.andi %shift_right_arithmetic3A_905, %and3A_907 : vector<1x200xi32>
    %eq3A_909 = vector.broadcast %and3A_908 : vector<1x200xi32> to vector<16x200xi32>
    %eq3A_910 = arith.cmpi eq, %iota3A, %eq3A_909 : vector<16x200xi32>
    %shift_right_arithmetic3A_911 = arith.constant 24 : i32
    %shift_right_arithmetic3A_912 = vector.broadcast %shift_right_arithmetic3A_911 : i32 to vector<1x200xi32>
    %shift_right_arithmetic3A_913 = arith.shrsi %slice3A_862, %shift_right_arithmetic3A_912 : vector<1x200xi32>
    %and3A_914 = arith.constant 15 : i32
    %and3A_915 = vector.broadcast %and3A_914 : i32 to vector<1x200xi32>
    %and3A_916 = arith.andi %shift_right_arithmetic3A_913, %and3A_915 : vector<1x200xi32>
    %eq3A_917 = vector.broadcast %and3A_916 : vector<1x200xi32> to vector<16x200xi32>
    %eq3A_918 = arith.cmpi eq, %iota3A, %eq3A_917 : vector<16x200xi32>
    %shift_right_arithmetic3A_919 = arith.constant 28 : i32
    %shift_right_arithmetic3A_920 = vector.broadcast %shift_right_arithmetic3A_919 : i32 to vector<1x200xi32>
    %shift_right_arithmetic3A_921 = arith.shrsi %slice3A_862, %shift_right_arithmetic3A_920 : vector<1x200xi32>
    %and3A_922 = arith.constant 15 : i32
    %and3A_923 = vector.broadcast %and3A_922 : i32 to vector<1x200xi32>
    %and3A_924 = arith.andi %shift_right_arithmetic3A_921, %and3A_923 : vector<1x200xi32>
    %eq3A_925 = vector.broadcast %and3A_924 : vector<1x200xi32> to vector<16x200xi32>
    %eq3A_926 = arith.cmpi eq, %iota3A, %eq3A_925 : vector<16x200xi32>
    %concatenate3A_927 = tpu.concatenate %eq3A_870, %eq3A_878, %eq3A_886, %eq3A_894, %eq3A_902, %eq3A_910, %eq3A_918, %eq3A_926 in 0 : vector<16x200xi1>, vector<16x200xi1>, vector<16x200xi1>, vector<16x200xi1>, vector<16x200xi1>, vector<16x200xi1>, vector<16x200xi1>, vector<16x200xi1> -> vector<128x200xi1>
    %convert_element_type3A_928 = arith.extui %concatenate3A_927 : vector<128x200xi1> to vector<128x200xi32>
    %convert_element_type3A_929 = arith.sitofp %convert_element_type3A_928 : vector<128x200xi32> to vector<128x200xf32>
    %convert_element_type3A_930 = arith.truncf %convert_element_type3A_929 : vector<128x200xf32> to vector<128x200xbf16>
    %dot_general3A_931 = arith.constant dense<0.000000e+00> : vector<200x128xf32>
    %dot_general3A_932 = tpu.matmul %convert_element_type3A_930, %convert_element_type3A_33, %dot_general3A_931 {dimension_numbers = #tpu.dot_dimension_numbers<[0], [0], [1], [1], [0, 1, 1, 1], [], []>, transpose_lhs_hint = false} : vector<128x200xbf16>, vector<128x128xbf16>, vector<200x128xf32> -> vector<200x128xf32>
    %slice3A_933 = vector.extract_strided_slice %add3A_24 {offsets = [6, 0], sizes = [1, 200], strides = [1, 1]} : vector<8x200xf32> to vector<1x200xf32>
    %convert_element_type3A_934 = arith.truncf %slice3A_933 : vector<1x200xf32> to vector<1x200xbf16>
    %dot_general3A_935 = arith.constant dense<0.000000e+00> : vector<200x128xf32>
    %dot_general3A_936 = tpu.matmul %convert_element_type3A_934, %broadcast_in_dim3A_41, %dot_general3A_935 {dimension_numbers = #tpu.dot_dimension_numbers<[0], [0], [1], [1], [0, 1, 1, 1], [], []>, transpose_lhs_hint = false} : vector<1x200xbf16>, vector<1x128xbf16>, vector<200x128xf32> -> vector<200x128xf32>
    %get3A_937 = arith.constant 6 : index
    %get3A_938 = arith.constant 0 : index
    %get3A_939 = arith.constant 0 : index
    %get3A_940 = vector.load %arg1[%get3A_937, %get3A_938, %get3A_939] : memref<8x200x128xf32, #tpu.memory_space<vmem>>, vector<1x200x128xf32>
    %get3A_941 = vector.shape_cast %get3A_940 : vector<1x200x128xf32> to vector<200x128xf32>
    %mul3A_942 = arith.mulf %get3A_941, %dot_general3A_936 : vector<200x128xf32>
    %add3A_943 = arith.addf %mul3A_942, %dot_general3A_932 : vector<200x128xf32>
    %get3A_944 = arith.constant 6 : index
    %get3A_945 = arith.constant 0 : index
    %get3A_946 = arith.constant 0 : index
    %get3A_947 = vector.load %arg4[%get3A_944, %get3A_945, %get3A_946] : memref<8x200x64xf32, #tpu.memory_space<vmem>>, vector<1x200x64xf32>
    %get3A_948 = vector.shape_cast %get3A_947 : vector<1x200x64xf32> to vector<200x64xf32>
    %convert_element_type3A_949 = arith.truncf %get3A_948 : vector<200x64xf32> to vector<200x64xbf16>
    %slice3A_950 = vector.extract_strided_slice %and3A_27 {offsets = [6, 0], sizes = [1, 200], strides = [1, 1]} : vector<8x200xi32> to vector<1x200xi32>
    %eq3A_951 = vector.broadcast %slice3A_950 : vector<1x200xi32> to vector<200x200xi32>
    %eq3A_952 = arith.cmpi eq, %iota3A_40, %eq3A_951 : vector<200x200xi32>
    %convert_element_type3A_953 = arith.extui %eq3A_952 : vector<200x200xi1> to vector<200x200xi32>
    %convert_element_type3A_954 = arith.sitofp %convert_element_type3A_953 : vector<200x200xi32> to vector<200x200xf32>
    %convert_element_type3A_955 = arith.truncf %convert_element_type3A_954 : vector<200x200xf32> to vector<200x200xbf16>
    %dot_general3A_956 = arith.constant dense<0.000000e+00> : vector<200x64xf32>
    %dot_general3A_957 = tpu.matmul %convert_element_type3A_955, %convert_element_type3A_949, %dot_general3A_956 {dimension_numbers = #tpu.dot_dimension_numbers<[0], [0], [1], [1], [0, 1, 1, 1], [], []>, transpose_lhs_hint = false} : vector<200x200xbf16>, vector<200x64xbf16>, vector<200x64xf32> -> vector<200x64xf32>
    %slice3A_958 = vector.extract_strided_slice %shift_right_arithmetic3A_29 {offsets = [6, 0], sizes = [1, 200], strides = [1, 1]} : vector<8x200xi32> to vector<1x200xi32>
    %eq3A_959 = vector.broadcast %slice3A_958 : vector<1x200xi32> to vector<200x200xi32>
    %eq3A_960 = arith.cmpi eq, %iota3A_40, %eq3A_959 : vector<200x200xi32>
    %convert_element_type3A_961 = arith.extui %eq3A_960 : vector<200x200xi1> to vector<200x200xi32>
    %convert_element_type3A_962 = arith.sitofp %convert_element_type3A_961 : vector<200x200xi32> to vector<200x200xf32>
    %convert_element_type3A_963 = arith.truncf %convert_element_type3A_962 : vector<200x200xf32> to vector<200x200xbf16>
    %dot_general3A_964 = arith.constant dense<0.000000e+00> : vector<200x64xf32>
    %dot_general3A_965 = tpu.matmul %convert_element_type3A_963, %convert_element_type3A_949, %dot_general3A_964 {dimension_numbers = #tpu.dot_dimension_numbers<[0], [0], [1], [1], [0, 1, 1, 1], [], []>, transpose_lhs_hint = false} : vector<200x200xbf16>, vector<200x64xbf16>, vector<200x64xf32> -> vector<200x64xf32>
    %concatenate3A_966 = tpu.concatenate %add3A_943, %dot_general3A_957, %dot_general3A_965 in 1 : vector<200x128xf32>, vector<200x64xf32>, vector<200x64xf32> -> vector<200x256xf32>
    %reduce_sum3A_967 = arith.constant dense<0.000000e+00> : vector<200xf32>
    %reduce_sum3A_968 = vector.multi_reduction <add>, %concatenate3A_966, %reduce_sum3A_967 [1] : vector<200x256xf32> to vector<200xf32>
    %broadcast_in_dim3A_969 = vector.shape_cast %reduce_sum3A_968 : vector<200xf32> to vector<200x1xf32>
    %div3A_970 = arith.constant 2.560000e+02 : f32
    %div3A_971 = vector.broadcast %div3A_970 : f32 to vector<200x1xf32>
    %div3A_972 = arith.divf %broadcast_in_dim3A_969, %div3A_971 : vector<200x1xf32>
    %mul3A_973 = arith.mulf %concatenate3A_966, %concatenate3A_966 : vector<200x256xf32>
    %reduce_sum3A_974 = arith.constant dense<0.000000e+00> : vector<200xf32>
    %reduce_sum3A_975 = vector.multi_reduction <add>, %mul3A_973, %reduce_sum3A_974 [1] : vector<200x256xf32> to vector<200xf32>
    %broadcast_in_dim3A_976 = vector.shape_cast %reduce_sum3A_975 : vector<200xf32> to vector<200x1xf32>
    %div3A_977 = arith.constant 2.560000e+02 : f32
    %div3A_978 = vector.broadcast %div3A_977 : f32 to vector<200x1xf32>
    %div3A_979 = arith.divf %broadcast_in_dim3A_976, %div3A_978 : vector<200x1xf32>
    %mul3A_980 = arith.mulf %div3A_972, %div3A_972 : vector<200x1xf32>
    %sub3A_981 = arith.subf %div3A_979, %mul3A_980 : vector<200x1xf32>
    %add3A_982 = arith.constant 9.99999996E-13 : f32
    %add3A_983 = vector.broadcast %add3A_982 : f32 to vector<200x1xf32>
    %add3A_984 = arith.addf %sub3A_981, %add3A_983 : vector<200x1xf32>
    %rsqrt3A_985 = math.rsqrt %add3A_984 : vector<200x1xf32>
    %sub3A_986 = vector.broadcast %div3A_972 : vector<200x1xf32> to vector<200x256xf32>
    %sub3A_987 = arith.subf %concatenate3A_966, %sub3A_986 : vector<200x256xf32>
    %mul3A_988 = vector.broadcast %rsqrt3A_985 : vector<200x1xf32> to vector<200x256xf32>
    %mul3A_989 = arith.mulf %sub3A_987, %mul3A_988 : vector<200x256xf32>
    %mul3A_990 = vector.broadcast %get3A_36 : vector<1x256xf32> to vector<200x256xf32>
    %mul3A_991 = arith.mulf %mul3A_989, %mul3A_990 : vector<200x256xf32>
    %add3A_992 = vector.broadcast %get3A_39 : vector<1x256xf32> to vector<200x256xf32>
    %add3A_993 = arith.addf %mul3A_991, %add3A_992 : vector<200x256xf32>
    %swap3A_994 = arith.constant 6 : index
    %swap3A_995 = arith.constant 0 : index
    %swap3A_996 = arith.constant 0 : index
    %swap3A_997 = vector.load %arg10[%swap3A_994, %swap3A_995, %swap3A_996] : memref<8x200x256xf32, #tpu.memory_space<vmem>>, vector<1x200x256xf32>
    %swap3A_998 = vector.shape_cast %swap3A_997 : vector<1x200x256xf32> to vector<200x256xf32>
    %swap3A_999 = vector.shape_cast %add3A_993 : vector<200x256xf32> to vector<1x200x256xf32>
    tpu.vector_store %arg10[%swap3A_994, %swap3A_995, %swap3A_996], %swap3A_999 {strides = array<i32>} : memref<8x200x256xf32, #tpu.memory_space<vmem>>, vector<1x200x256xf32>,
    %slice3A_1000 = vector.extract_strided_slice %get3A_1 {offsets = [7, 0], sizes = [1, 200], strides = [1, 1]} : vector<8x200xi32> to vector<1x200xi32>
    %shift_right_arithmetic3A_1001 = arith.constant 0 : i32
    %shift_right_arithmetic3A_1002 = vector.broadcast %shift_right_arithmetic3A_1001 : i32 to vector<1x200xi32>
    %shift_right_arithmetic3A_1003 = arith.shrsi %slice3A_1000, %shift_right_arithmetic3A_1002 : vector<1x200xi32>
    %and3A_1004 = arith.constant 15 : i32
    %and3A_1005 = vector.broadcast %and3A_1004 : i32 to vector<1x200xi32>
    %and3A_1006 = arith.andi %shift_right_arithmetic3A_1003, %and3A_1005 : vector<1x200xi32>
    %eq3A_1007 = vector.broadcast %and3A_1006 : vector<1x200xi32> to vector<16x200xi32>
    %eq3A_1008 = arith.cmpi eq, %iota3A, %eq3A_1007 : vector<16x200xi32>
    %shift_right_arithmetic3A_1009 = arith.constant 4 : i32
    %shift_right_arithmetic3A_1010 = vector.broadcast %shift_right_arithmetic3A_1009 : i32 to vector<1x200xi32>
    %shift_right_arithmetic3A_1011 = arith.shrsi %slice3A_1000, %shift_right_arithmetic3A_1010 : vector<1x200xi32>
    %and3A_1012 = arith.constant 15 : i32
    %and3A_1013 = vector.broadcast %and3A_1012 : i32 to vector<1x200xi32>
    %and3A_1014 = arith.andi %shift_right_arithmetic3A_1011, %and3A_1013 : vector<1x200xi32>
    %eq3A_1015 = vector.broadcast %and3A_1014 : vector<1x200xi32> to vector<16x200xi32>
    %eq3A_1016 = arith.cmpi eq, %iota3A, %eq3A_1015 : vector<16x200xi32>
    %shift_right_arithmetic3A_1017 = arith.constant 8 : i32
    %shift_right_arithmetic3A_1018 = vector.broadcast %shift_right_arithmetic3A_1017 : i32 to vector<1x200xi32>
    %shift_right_arithmetic3A_1019 = arith.shrsi %slice3A_1000, %shift_right_arithmetic3A_1018 : vector<1x200xi32>
    %and3A_1020 = arith.constant 15 : i32
    %and3A_1021 = vector.broadcast %and3A_1020 : i32 to vector<1x200xi32>
    %and3A_1022 = arith.andi %shift_right_arithmetic3A_1019, %and3A_1021 : vector<1x200xi32>
    %eq3A_1023 = vector.broadcast %and3A_1022 : vector<1x200xi32> to vector<16x200xi32>
    %eq3A_1024 = arith.cmpi eq, %iota3A, %eq3A_1023 : vector<16x200xi32>
    %shift_right_arithmetic3A_1025 = arith.constant 12 : i32
    %shift_right_arithmetic3A_1026 = vector.broadcast %shift_right_arithmetic3A_1025 : i32 to vector<1x200xi32>
    %shift_right_arithmetic3A_1027 = arith.shrsi %slice3A_1000, %shift_right_arithmetic3A_1026 : vector<1x200xi32>
    %and3A_1028 = arith.constant 15 : i32
    %and3A_1029 = vector.broadcast %and3A_1028 : i32 to vector<1x200xi32>
    %and3A_1030 = arith.andi %shift_right_arithmetic3A_1027, %and3A_1029 : vector<1x200xi32>
    %eq3A_1031 = vector.broadcast %and3A_1030 : vector<1x200xi32> to vector<16x200xi32>
    %eq3A_1032 = arith.cmpi eq, %iota3A, %eq3A_1031 : vector<16x200xi32>
    %shift_right_arithmetic3A_1033 = arith.constant 16 : i32
    %shift_right_arithmetic3A_1034 = vector.broadcast %shift_right_arithmetic3A_1033 : i32 to vector<1x200xi32>
    %shift_right_arithmetic3A_1035 = arith.shrsi %slice3A_1000, %shift_right_arithmetic3A_1034 : vector<1x200xi32>
    %and3A_1036 = arith.constant 15 : i32
    %and3A_1037 = vector.broadcast %and3A_1036 : i32 to vector<1x200xi32>
    %and3A_1038 = arith.andi %shift_right_arithmetic3A_1035, %and3A_1037 : vector<1x200xi32>
    %eq3A_1039 = vector.broadcast %and3A_1038 : vector<1x200xi32> to vector<16x200xi32>
    %eq3A_1040 = arith.cmpi eq, %iota3A, %eq3A_1039 : vector<16x200xi32>
    %shift_right_arithmetic3A_1041 = arith.constant 20 : i32
    %shift_right_arithmetic3A_1042 = vector.broadcast %shift_right_arithmetic3A_1041 : i32 to vector<1x200xi32>
    %shift_right_arithmetic3A_1043 = arith.shrsi %slice3A_1000, %shift_right_arithmetic3A_1042 : vector<1x200xi32>
    %and3A_1044 = arith.constant 15 : i32
    %and3A_1045 = vector.broadcast %and3A_1044 : i32 to vector<1x200xi32>
    %and3A_1046 = arith.andi %shift_right_arithmetic3A_1043, %and3A_1045 : vector<1x200xi32>
    %eq3A_1047 = vector.broadcast %and3A_1046 : vector<1x200xi32> to vector<16x200xi32>
    %eq3A_1048 = arith.cmpi eq, %iota3A, %eq3A_1047 : vector<16x200xi32>
    %shift_right_arithmetic3A_1049 = arith.constant 24 : i32
    %shift_right_arithmetic3A_1050 = vector.broadcast %shift_right_arithmetic3A_1049 : i32 to vector<1x200xi32>
    %shift_right_arithmetic3A_1051 = arith.shrsi %slice3A_1000, %shift_right_arithmetic3A_1050 : vector<1x200xi32>
    %and3A_1052 = arith.constant 15 : i32
    %and3A_1053 = vector.broadcast %and3A_1052 : i32 to vector<1x200xi32>
    %and3A_1054 = arith.andi %shift_right_arithmetic3A_1051, %and3A_1053 : vector<1x200xi32>
    %eq3A_1055 = vector.broadcast %and3A_1054 : vector<1x200xi32> to vector<16x200xi32>
    %eq3A_1056 = arith.cmpi eq, %iota3A, %eq3A_1055 : vector<16x200xi32>
    %shift_right_arithmetic3A_1057 = arith.constant 28 : i32
    %shift_right_arithmetic3A_1058 = vector.broadcast %shift_right_arithmetic3A_1057 : i32 to vector<1x200xi32>
    %shift_right_arithmetic3A_1059 = arith.shrsi %slice3A_1000, %shift_right_arithmetic3A_1058 : vector<1x200xi32>
    %and3A_1060 = arith.constant 15 : i32
    %and3A_1061 = vector.broadcast %and3A_1060 : i32 to vector<1x200xi32>
    %and3A_1062 = arith.andi %shift_right_arithmetic3A_1059, %and3A_1061 : vector<1x200xi32>
    %eq3A_1063 = vector.broadcast %and3A_1062 : vector<1x200xi32> to vector<16x200xi32>
    %eq3A_1064 = arith.cmpi eq, %iota3A, %eq3A_1063 : vector<16x200xi32>
    %concatenate3A_1065 = tpu.concatenate %eq3A_1008, %eq3A_1016, %eq3A_1024, %eq3A_1032, %eq3A_1040, %eq3A_1048, %eq3A_1056, %eq3A_1064 in 0 : vector<16x200xi1>, vector<16x200xi1>, vector<16x200xi1>, vector<16x200xi1>, vector<16x200xi1>, vector<16x200xi1>, vector<16x200xi1>, vector<16x200xi1> -> vector<128x200xi1>
    %convert_element_type3A_1066 = arith.extui %concatenate3A_1065 : vector<128x200xi1> to vector<128x200xi32>
    %convert_element_type3A_1067 = arith.sitofp %convert_element_type3A_1066 : vector<128x200xi32> to vector<128x200xf32>
    %convert_element_type3A_1068 = arith.truncf %convert_element_type3A_1067 : vector<128x200xf32> to vector<128x200xbf16>
    %dot_general3A_1069 = arith.constant dense<0.000000e+00> : vector<200x128xf32>
    %dot_general3A_1070 = tpu.matmul %convert_element_type3A_1068, %convert_element_type3A_33, %dot_general3A_1069 {dimension_numbers = #tpu.dot_dimension_numbers<[0], [0], [1], [1], [0, 1, 1, 1], [], []>, transpose_lhs_hint = false} : vector<128x200xbf16>, vector<128x128xbf16>, vector<200x128xf32> -> vector<200x128xf32>
    %slice3A_1071 = vector.extract_strided_slice %add3A_24 {offsets = [7, 0], sizes = [1, 200], strides = [1, 1]} : vector<8x200xf32> to vector<1x200xf32>
    %convert_element_type3A_1072 = arith.truncf %slice3A_1071 : vector<1x200xf32> to vector<1x200xbf16>
    %dot_general3A_1073 = arith.constant dense<0.000000e+00> : vector<200x128xf32>
    %dot_general3A_1074 = tpu.matmul %convert_element_type3A_1072, %broadcast_in_dim3A_41, %dot_general3A_1073 {dimension_numbers = #tpu.dot_dimension_numbers<[0], [0], [1], [1], [0, 1, 1, 1], [], []>, transpose_lhs_hint = false} : vector<1x200xbf16>, vector<1x128xbf16>, vector<200x128xf32> -> vector<200x128xf32>
    %get3A_1075 = arith.constant 7 : index
    %get3A_1076 = arith.constant 0 : index
    %get3A_1077 = arith.constant 0 : index
    %get3A_1078 = vector.load %arg1[%get3A_1075, %get3A_1076, %get3A_1077] : memref<8x200x128xf32, #tpu.memory_space<vmem>>, vector<1x200x128xf32>
    %get3A_1079 = vector.shape_cast %get3A_1078 : vector<1x200x128xf32> to vector<200x128xf32>
    %mul3A_1080 = arith.mulf %get3A_1079, %dot_general3A_1074 : vector<200x128xf32>
    %add3A_1081 = arith.addf %mul3A_1080, %dot_general3A_1070 : vector<200x128xf32>
    %get3A_1082 = arith.constant 7 : index
    %get3A_1083 = arith.constant 0 : index
    %get3A_1084 = arith.constant 0 : index
    %get3A_1085 = vector.load %arg4[%get3A_1082, %get3A_1083, %get3A_1084] : memref<8x200x64xf32, #tpu.memory_space<vmem>>, vector<1x200x64xf32>
    %get3A_1086 = vector.shape_cast %get3A_1085 : vector<1x200x64xf32> to vector<200x64xf32>
    %convert_element_type3A_1087 = arith.truncf %get3A_1086 : vector<200x64xf32> to vector<200x64xbf16>
    %slice3A_1088 = vector.extract_strided_slice %and3A_27 {offsets = [7, 0], sizes = [1, 200], strides = [1, 1]} : vector<8x200xi32> to vector<1x200xi32>
    %eq3A_1089 = vector.broadcast %slice3A_1088 : vector<1x200xi32> to vector<200x200xi32>
    %eq3A_1090 = arith.cmpi eq, %iota3A_40, %eq3A_1089 : vector<200x200xi32>
    %convert_element_type3A_1091 = arith.extui %eq3A_1090 : vector<200x200xi1> to vector<200x200xi32>
    %convert_element_type3A_1092 = arith.sitofp %convert_element_type3A_1091 : vector<200x200xi32> to vector<200x200xf32>
    %convert_element_type3A_1093 = arith.truncf %convert_element_type3A_1092 : vector<200x200xf32> to vector<200x200xbf16>
    %dot_general3A_1094 = arith.constant dense<0.000000e+00> : vector<200x64xf32>
    %dot_general3A_1095 = tpu.matmul %convert_element_type3A_1093, %convert_element_type3A_1087, %dot_general3A_1094 {dimension_numbers = #tpu.dot_dimension_numbers<[0], [0], [1], [1], [0, 1, 1, 1], [], []>, transpose_lhs_hint = false} : vector<200x200xbf16>, vector<200x64xbf16>, vector<200x64xf32> -> vector<200x64xf32>
    %slice3A_1096 = vector.extract_strided_slice %shift_right_arithmetic3A_29 {offsets = [7, 0], sizes = [1, 200], strides = [1, 1]} : vector<8x200xi32> to vector<1x200xi32>
    %eq3A_1097 = vector.broadcast %slice3A_1096 : vector<1x200xi32> to vector<200x200xi32>
    %eq3A_1098 = arith.cmpi eq, %iota3A_40, %eq3A_1097 : vector<200x200xi32>
    %convert_element_type3A_1099 = arith.extui %eq3A_1098 : vector<200x200xi1> to vector<200x200xi32>
    %convert_element_type3A_1100 = arith.sitofp %convert_element_type3A_1099 : vector<200x200xi32> to vector<200x200xf32>
    %convert_element_type3A_1101 = arith.truncf %convert_element_type3A_1100 : vector<200x200xf32> to vector<200x200xbf16>
    %dot_general3A_1102 = arith.constant dense<0.000000e+00> : vector<200x64xf32>
    %dot_general3A_1103 = tpu.matmul %convert_element_type3A_1101, %convert_element_type3A_1087, %dot_general3A_1102 {dimension_numbers = #tpu.dot_dimension_numbers<[0], [0], [1], [1], [0, 1, 1, 1], [], []>, transpose_lhs_hint = false} : vector<200x200xbf16>, vector<200x64xbf16>, vector<200x64xf32> -> vector<200x64xf32>
    %concatenate3A_1104 = tpu.concatenate %add3A_1081, %dot_general3A_1095, %dot_general3A_1103 in 1 : vector<200x128xf32>, vector<200x64xf32>, vector<200x64xf32> -> vector<200x256xf32>
    %reduce_sum3A_1105 = arith.constant dense<0.000000e+00> : vector<200xf32>
    %reduce_sum3A_1106 = vector.multi_reduction <add>, %concatenate3A_1104, %reduce_sum3A_1105 [1] : vector<200x256xf32> to vector<200xf32>
    %broadcast_in_dim3A_1107 = vector.shape_cast %reduce_sum3A_1106 : vector<200xf32> to vector<200x1xf32>
    %div3A_1108 = arith.constant 2.560000e+02 : f32
    %div3A_1109 = vector.broadcast %div3A_1108 : f32 to vector<200x1xf32>
    %div3A_1110 = arith.divf %broadcast_in_dim3A_1107, %div3A_1109 : vector<200x1xf32>
    %mul3A_1111 = arith.mulf %concatenate3A_1104, %concatenate3A_1104 : vector<200x256xf32>
    %reduce_sum3A_1112 = arith.constant dense<0.000000e+00> : vector<200xf32>
    %reduce_sum3A_1113 = vector.multi_reduction <add>, %mul3A_1111, %reduce_sum3A_1112 [1] : vector<200x256xf32> to vector<200xf32>
    %broadcast_in_dim3A_1114 = vector.shape_cast %reduce_sum3A_1113 : vector<200xf32> to vector<200x1xf32>
    %div3A_1115 = arith.constant 2.560000e+02 : f32
    %div3A_1116 = vector.broadcast %div3A_1115 : f32 to vector<200x1xf32>
    %div3A_1117 = arith.divf %broadcast_in_dim3A_1114, %div3A_1116 : vector<200x1xf32>
    %mul3A_1118 = arith.mulf %div3A_1110, %div3A_1110 : vector<200x1xf32>
    %sub3A_1119 = arith.subf %div3A_1117, %mul3A_1118 : vector<200x1xf32>
    %add3A_1120 = arith.constant 9.99999996E-13 : f32
    %add3A_1121 = vector.broadcast %add3A_1120 : f32 to vector<200x1xf32>
    %add3A_1122 = arith.addf %sub3A_1119, %add3A_1121 : vector<200x1xf32>
    %rsqrt3A_1123 = math.rsqrt %add3A_1122 : vector<200x1xf32>
    %sub3A_1124 = vector.broadcast %div3A_1110 : vector<200x1xf32> to vector<200x256xf32>
    %sub3A_1125 = arith.subf %concatenate3A_1104, %sub3A_1124 : vector<200x256xf32>
    %mul3A_1126 = vector.broadcast %rsqrt3A_1123 : vector<200x1xf32> to vector<200x256xf32>
    %mul3A_1127 = arith.mulf %sub3A_1125, %mul3A_1126 : vector<200x256xf32>
    %mul3A_1128 = vector.broadcast %get3A_36 : vector<1x256xf32> to vector<200x256xf32>
    %mul3A_1129 = arith.mulf %mul3A_1127, %mul3A_1128 : vector<200x256xf32>
    %add3A_1130 = vector.broadcast %get3A_39 : vector<1x256xf32> to vector<200x256xf32>
    %add3A_1131 = arith.addf %mul3A_1129, %add3A_1130 : vector<200x256xf32>
    %swap3A_1132 = arith.constant 7 : index
    %swap3A_1133 = arith.constant 0 : index
    %swap3A_1134 = arith.constant 0 : index
    %swap3A_1135 = vector.load %arg10[%swap3A_1132, %swap3A_1133, %swap3A_1134] : memref<8x200x256xf32, #tpu.memory_space<vmem>>, vector<1x200x256xf32>
    %swap3A_1136 = vector.shape_cast %swap3A_1135 : vector<1x200x256xf32> to vector<200x256xf32>
    %swap3A_1137 = vector.shape_cast %add3A_1131 : vector<200x256xf32> to vector<1x200x256xf32>
    tpu.vector_store %arg10[%swap3A_1132, %swap3A_1133, %swap3A_1134], %swap3A_1137 {strides = array<i32>} : memref<8x200x256xf32, #tpu.memory_space<vmem>>, vector<1x200x256xf32>,
    return
  }
  func.func @transform_0(%arg0: i32) -> (i32, i32, i32) {
    %c0_i32 = arith.constant 0 : i32
    %c0_i32_0 = arith.constant 0 : i32
    %c0_i32_1 = arith.constant 0 : i32
    return %arg0, %c0_i32, %c0_i32_0 : i32, i32, i32
  }
  func.func @transform_1(%arg0: i32) -> (i32, i32) {
    %c0_i32 = arith.constant 0 : i32
    %c0_i32_0 = arith.constant 0 : i32
    return %arg0, %c0_i32 : i32, i32
  }
  func.func @transform_2(%arg0: i32) -> (i32, i32) {
    %c0_i32 = arith.constant 0 : i32
    %c0_i32_0 = arith.constant 0 : i32
    return %arg0, %c0_i32 : i32, i32
  }
  func.func @transform_3(%arg0: i32) -> (i32, i32, i32) {
    %c0_i32 = arith.constant 0 : i32
    %c0_i32_0 = arith.constant 0 : i32
    %c0_i32_1 = arith.constant 0 : i32
    return %arg0, %c0_i32, %c0_i32_0 : i32, i32, i32
  }
  func.func @transform_4(%arg0: i32) -> (i32, i32) {
    %c0_i32 = arith.constant 0 : i32
    %c0_i32_0 = arith.constant 0 : i32
    return %arg0, %c0_i32 : i32, i32
  }
  func.func @transform_5(%arg0: i32) -> (i32, i32) {
    %c0_i32 = arith.constant 0 : i32
    %c0_i32_0 = arith.constant 0 : i32
    return %arg0, %c0_i32 : i32, i32
  }
  func.func @transform_6(%arg0: i32) -> (i32, i32) {
    %c0_i32 = arith.constant 0 : i32
    %c0_i32_0 = arith.constant 0 : i32
    %c0_i32_1 = arith.constant 0 : i32
    return %c0_i32, %c0_i32_0 : i32, i32
  }
  func.func @transform_7(%arg0: i32) -> (i32, i32) {
    %c0_i32 = arith.constant 0 : i32
    %c0_i32_0 = arith.constant 0 : i32
    %c0_i32_1 = arith.constant 0 : i32
    return %c0_i32, %c0_i32_0 : i32, i32
  }
  func.func @transform_8(%arg0: i32) -> (i32, i32) {
    %c0_i32 = arith.constant 0 : i32
    %c0_i32_0 = arith.constant 0 : i32
    %c0_i32_1 = arith.constant 0 : i32
    return %c0_i32, %c0_i32_0 : i32, i32
  }
  func.func @transform_9(%arg0: i32) -> (i32, i32, i32) {
    %c0_i32 = arith.constant 0 : i32
    %c0_i32_0 = arith.constant 0 : i32
    %c0_i32_1 = arith.constant 0 : i32
    return %arg0, %c0_i32, %c0_i32_0 : i32, i32, i32
  }
}

</mosaic_0001>

<sc_bundles>
// kernel: kernel.4.cloned.1.call-start
scs
__scs_entry_jumppad:
0x0: {  	(pc) =	sbr.rel $0x88, $3  }
0x1: {  	(tag) =	ssettag $0x0;
	lr =	simm.s32 $0x1  }
0x2: {  	[smem:$0x3F8E] =	sst lr;
	_ =	strace $0xD0000000  }
0x3: {  	_ = 	snop  }
0x4: {  	_ = 	snop  }
0x5: {  	_ = 	snop  }
0x6: {  	_ = 	snop  }
0x7: {  	_ = 	snop  }
__scs_overlays_trampoline_lowered:
0x8: {  	[smem:$0x3F9D] =	sst s0  }
0x9: {  	[smem:$0x3F9E] =	sst s1  }
0xa: {  	[smem:$0x3F9F] =	sst s2  }
0xb: {  	[smem:$0x3FA0] =	sst s3  }
0xc: {  	[smem:$0x3FA1] =	sst s4  }
0xd: {  	[smem:$0x3FA2] =	sst s5  }
0xe: {  	[smem:$0x3FA3] =	sst s6  }
0xf: {  	[smem:$0x3FA4] =	sst s7  }
0x10: {  	[smem:$0x3FA5] =	sst s8  }
0x11: {  	[smem:$0x3FA6] =	sst s9;
	s0 =	simm.s32 @!p0 $0x0  }
0x12: {  	s1 =	sld [smem:$0x3F8C];
	s0 =	simm.s32 @p0 $0x1  }
0x13: {  	[smem:$0x3FA7] =	sst s0;
	s0 =	simm.s32 @!p1 $0x0  }
0x14: {  	s2 =	sld [smem:$0x3F8B];
	s0 =	simm.s32 @p1 $0x1  }
0x15: {  	[smem:$0x3FA8] =	sst s0;
	s0 =	simm.s32 @!p2 $0x0  }
0x16: {  	s3 =	sld [smem:$0x3FDB];
	s0 =	simm.s32 @p2 $0x1  }
0x17: {  	s4 =	simm.s32 $0x1BF5;
	[smem:$0x3FAA] =	sst s0  }
0x18: {  	s0 =	sld [smem:$0x3F8D];
	_ =	swait.ge [sflag:s4], $0x0  }
0x19: {  	s7 =	sld [smem:$0x3F8E]  }
0x1a: {  	s8 =	sadd.s32 $0xFFFFE003, lr  }
0x1b: {  	s9 =	sadd.s32 $0xFFFFFEF7, lr;
	s5 =	simm.s32 $0xFFFFFFFF;
	p2 =	slt.u32 s8, $0xFFFFF086  }
0x1c: {  	p1 =	slt.u32 s9, $0xF7A;
	s5 =	simm.s32 @!p2 $0x0  }
0x1d: {  	s5 =	simm.s32 @p1 $0x1;
	p0 =	seq.s32 s7, s2  }
0x1e: {  	s7 =	smul.u32 @!p0 $0xF7A, s2;
	p2 =	seq.s32 @!p0 s5, $0x0  }
0x1f: {  	s9 =	smul.u32 $0xF7A, s1;
	s8 =	simm.s32 @!p0 $0x1BF5;
	p2 =	por !p2, p0  }
0x20: {  	[sflag:s8] =	ssyncset.s32 @!p0 $0xFFFFF086;
	s6 =	sadd.s32 @!p0 s3, s7;
	s7 =	simm.s32 @!p0 $0x108  }
0x21: {  	s3 =	sadd.s32 s3, s9;
	s6 =	sadd.s32 @!p0 $0x88, s6;
	s7 =	simm.s32 @p2 $0x1082  }
0x22: {  	[simem:s7], [sflag:s8] =	dma.local @!p0 [hbm:s6], $0xF7A  }
0x23: {  	s9 =	sor.u32 $0xD0000000, s2;
	s6 =	simm.s32 $0x108;
	_ =	swait.ge @!p0 [sflag:s8], $0x0  }
0x24: {  	s3 =	sadd.s32 $0x88, s3;
	s6 =	simm.s32 @!p1 $0x1082;
	[sflag:s4] =	ssyncset.s32 $0xFFFFF086  }
0x25: {  	[simem:s6], [sflag:s4] =	dma.local [hbm:s3], $0xF7A  }
0x26: {  	[smem:$0x3F8E] =	sst s1;
	(tag) =	ssettag s2;
	_ =	strace s9  }
0x27: {  	s1 =	sld [smem:$0x3F9E]  }
0x28: {  	s2 =	sld [smem:$0x3F9F]  }
0x29: {  	s4 =	sld [smem:$0x3FA1]  }
0x2a: {  	p0 =	seq.s32 s5, $0x0;
	s5 =	sld [smem:$0x3FA2]  }
0x2b: {  	s6 =	sld [smem:$0x3FA3]  }
0x2c: {  	s7 =	sld [smem:$0x3FA4]  }
0x2d: {  	s3 =	simm.s32 $0x108;
	s8 =	sld [smem:$0x3FA5]  }
0x2e: {  	s3 =	simm.s32 @!p0 $0x1082;
	s9 =	sld [smem:$0x3FA6]  }
0x2f: {  	lr =	sadd.s32 s0, s3;
	s0 =	sld [smem:$0x3F9D]  }
0x30: {  	s3 =	sld [smem:$0x3FA0]  }
0x31: {  	[smem:$0x3FA9] =	sst s10  }
0x32: {  	s10 =	sld [smem:$0x3FA7];
	_ =	sdelay $0x3  }
0x33: {  	p0 =	seq.s32 s10, $0x1;
	s10 =	sld [smem:$0x3FA9];
	_ =	sdelay $0x3  }
0x34: {  	[smem:$0x3FA9] =	sst s10  }
0x35: {  	s10 =	sld [smem:$0x3FA8];
	_ =	sdelay $0x3  }
0x36: {  	p1 =	seq.s32 s10, $0x1;
	s10 =	sld [smem:$0x3FA9];
	_ =	sdelay $0x3  }
0x37: {  	[smem:$0x3FA9] =	sst s10  }
0x38: {  	s10 =	sld [smem:$0x3FAA]  }
0x39: {  	_ = 	snop;
	(pc) =	sbr.ind lr, $3  }
0x3a: {  	_ = 	snop  }
0x3b: {  	_ = 	snop  }
0x3c: {  	p2 =	seq.s32 s10, $0x1;
	s10 =	sld [smem:$0x3FA9]  }
0x3d: {  	_ =	shalt  }
0x3e: {  	_ =	shalt  }
0x3f: {  	_ =	shalt  }
0x40: {  	_ =	shalt  }
0x41: {  	_ =	shalt  }
0x42: {  	_ =	shalt  }
0x43: {  	_ =	shalt  }
0x44: {  	_ =	shalt  }
0x45: {  	_ =	shalt  }
0x46: {  	_ =	shalt  }
0x47: {  	_ =	shalt  }
0x48: {  	_ =	shalt  }
0x49: {  	_ =	shalt  }
0x4a: {  	_ =	shalt  }
0x4b: {  	_ =	shalt  }
0x4c: {  	_ =	shalt  }
0x4d: {  	_ =	shalt  }
0x4e: {  	_ =	shalt  }
0x4f: {  	_ =	shalt  }
0x50: {  	_ =	shalt  }
0x51: {  	_ =	shalt  }
0x52: {  	_ =	shalt  }
0x53: {  	_ =	shalt  }
0x54: {  	_ =	shalt  }
0x55: {  	_ =	shalt  }
0x56: {  	_ =	shalt  }
0x57: {  	_ =	shalt  }
0x58: {  	_ =	shalt  }
0x59: {  	_ =	shalt  }
0x5a: {  	_ =	shalt  }
0x5b: {  	_ =	shalt  }
0x5c: {  	_ =	shalt  }
0x5d: {  	_ =	shalt  }
0x5e: {  	_ =	shalt  }
0x5f: {  	_ =	shalt  }
0x60: {  	_ =	shalt  }
0x61: {  	_ =	shalt  }
0x62: {  	_ =	shalt  }
0x63: {  	_ =	shalt  }
0x64: {  	_ =	shalt  }
0x65: {  	_ =	shalt  }
0x66: {  	_ =	shalt  }
0x67: {  	_ =	shalt  }
0x68: {  	_ =	shalt  }
0x69: {  	_ =	shalt  }
0x6a: {  	_ =	shalt  }
0x6b: {  	_ =	shalt  }
0x6c: {  	_ =	shalt  }
0x6d: {  	_ =	shalt  }
0x6e: {  	_ =	shalt  }
0x6f: {  	_ =	shalt  }
0x70: {  	_ =	shalt  }
0x71: {  	_ =	shalt  }
0x72: {  	_ =	shalt  }
0x73: {  	_ =	shalt  }
0x74: {  	_ =	shalt  }
0x75: {  	_ =	shalt  }
0x76: {  	_ =	shalt  }
0x77: {  	_ =	shalt  }
0x78: {  	_ =	shalt  }
0x79: {  	_ =	shalt  }
0x7a: {  	_ =	shalt  }
0x7b: {  	_ =	shalt  }
0x7c: {  	_ =	shalt  }
0x7d: {  	_ =	shalt  }
0x7e: {  	_ =	shalt  }
0x7f: {  	_ =	shalt  }
0x80: {  	_ =	shalt  }
0x81: {  	_ =	shalt  }
0x82: {  	_ =	shalt  }
0x83: {  	_ =	shalt  }
0x84: {  	_ =	shalt  }
0x85: {  	_ =	shalt  }
0x86: {  	_ =	shalt  }
0x87: {  	_ =	shalt  }
.Lfunc_end0:
.L_simem_size_0:
called_computation_lowered:
.L_overlay_start_0:
0x88: {  	s2 =	sld [smem:$0x3FD9]  }
0x89: {  	s3 =	sld [smem:$0x3FFE];
	_ =	sdelay $0x1  }
0x8a: {  	s1 =	srdreg.scid  }
0x8b: {  	s0 =	sand.u32 $0x1, s1  }
0x8c: {  	s17 =	sshll.u32 s0, $0xA;
	s2 =	sadd.s32 s3, s2  }
0x8d: {  	s2 =	sadd.s32 s2, s17  }
0x8e: {  	[smem:$0x3FB5] =	sst s2  }
0x8f: {  	_ = 	snop  }
0x90: {  	s2 =	sld [smem:$0x3FC1]  }
0x91: {  	s18 =	sld [smem:$0x3FD0];
	(tm) =	ssettm $0x1  }
0x92: {  	s4 =	sld [smem:$0x3FFB];
	_ =	sdelay $0x3  }
0x93: {  	_ =	strace s4  }
0x94: {  	s4 =	sld [smem:$0x3FFC];
	_ =	sdelay $0x3  }
0x95: {  	_ =	strace s4  }
0x96: {  	s4 =	sld [smem:$0x3FFD];
	_ =	sdelay $0x3  }
0x97: {  	_ =	strace s4  }
0x98: {  	_ =	strace $0x8FFFFFFF  }
0x99: {  	s19 =	sld [smem:$0x3FDB];
	_ =	sdelay $0x1  }
0x9a: {  	s5 =	simm.s32 $_scs_section_size  }
0x9b: {  	s6 =	simm.s32 $_size__tile_overlayer_lowered;
	s7 =	simm.s32 $_tile_overlayer_lowered  }
0x9c: {  	s22 =	simm.s32 $0x1BFF;
	s21 =	sshll.u32 s7, $0x1;
	s4 =	sadd.s32 s5, s19  }
0x9d: {  	s8 =	simm.s32 $0x0;
	s20 =	sshll.u32 s6, $0x1;
	s6 =	sadd.s32 s21, s4  }
0x9e: {  	[timem:s8], [sflag:s22] =	dma.local [hbm:s6], s20  }
0x9f: {  	_ =	swait.ge [sflag:s22], s20  }
0xa0: {  	s5 =	ssub.s32 $0x0, s20;
	[sflag:s22] =	ssyncset.done $0x0  }
0xa1: {  	[sflag:s22] =	ssyncadd.s32 s5;
	_ =	sdelay $0x1  }
0xa2: {  	s23 =	simm.s32 $0x1B8B  }
0xa3: {  	_ =	swait.ge [sflag:s23], $0x1  }
0xa4: {  	[sflag:s23] =	ssyncset.done $0x0  }
0xa5: {  	s25 =	simm.s32 $0x1B8E;
	s24 =	sld [smem:$0x3FFE];
	[sflag:s23] =	ssyncadd.s32 $0xFFFFFFFF  }
0xa6: {  	s26 =	simm.s32 $execute0_lowered;
	[smem:$0x3FD2] =	sst s25  }
0xa7: {  	s6 =	sshll.u32 s26, $0x1;
	_ =	strace $0x80000046;
	[dreg:$0x1] =	wrdreg $0xFFFFFFFF  }
0xa8: {  	s28 =	simm.s32 $_size_execute0_lowered;
	s4 =	sadd.s32 s4, s6;
	[dreg:$0x0] =	wrdreg $0x0  }
0xa9: {  	s6 =	sshll.u32 s28, $0x1;
	[dreg:$0x2] =	wrdreg s4  }
0xaa: {  	[dreg:$0x3] =	wrdreg s6  }
0xab: {  	[dreg:$0x4] =	wrdreg $0xC0  }
0xac: {  	_ =	task [dreg:s8], $0x5FFFF  }
0xad: {  	[dreg:$0x1] =	wrdreg $0xFFFFFFFF  }
0xae: {  	[dreg:$0x0] =	wrdreg $0x60  }
0xaf: {  	[dreg:$0x2] =	wrdreg s2  }
0xb0: {  	[dreg:$0x3] =	wrdreg s18  }
0xb1: {  	[dreg:$0x4] =	wrdreg s24  }
0xb2: {  	[dreg:$0x5] =	wrdreg $0x9  }
0xb3: {  	_ =	task.clear_ibuf [dreg:s8], $0x6FFFF;
	_ =	strace $0x90000046  }
0xb4: {  	s29 =	simm.s32 $0x9;
	_ =	strace $0x80000048  }
0xb5: {  	_ =	swait.ge [sflag:s29], $0x1  }
0xb6: {  	[sflag:s29] =	ssyncadd.s32 $0xFFFFFFFF  }
0xb7: {  	_ =	strace $0x90000048  }
0xb8: {  	_ =	sfence  }
0xb9: {  	s30 =	sld [smem:$0x0];
	_ =	sdelay $0x2  }
0xba: {  	s31 =	sshll.u32 s1, $0xD;
	s1 =	sshrl.u32 s1, $0x2  }
0xbb: {  	s3 =	sand.u32 $0x4000, s31;
	s1 =	sadd.s32 s1, s30  }
0xbc: {  	s0 =	sor.u32 s3, s0;
	s1 =	sshll.u32 s1, $0x11  }
0xbd: {  	s0 =	sor.u32 s1, s0  }
0xbe: {  	s0 =	sadd.s32 $0x8F2B, s0  }
0xbf: {  	[sflag:s0] =	ssyncadd.remote.s32 $0x1  }
0xc0: {  	_ =	sfence.sel $0xFFFF  }
0xc1: {  	[dreg:$0x0] =	wrdreg $0xFFFFFFFF;
	(pc) =	sbr.abs _section_cstart, $3  }
0xc2: {  	[dreg:$0x1] =	wrdreg $0xFFFFFFFF  }
0xc3: {  	_ =	task.clear_ibuf [dreg:s8], $0x2FFFF;
	_ =	strace $0x9FFFFFFF  }
0xc4: {  	(tm) =	ssettm $0x7FFFFFFF  }
0xc5: {  	_ =	shalt  }
tec
execute0_lowered:
.L_overlay_start_1:
0x0: {  	(tag) =	ssettag $0x1  }
0x1: {  	s1 =	rddreg [dreg:$0x0]  }
0x2: {  	s4 =	rddreg [dreg:$0x1];
	s2 =	srdreg.scid  }
0x3: {  	s0 =	stileid.u32;
	s5 =	rddreg [dreg:$0x2];
	s3 =	simm.s32 $0x0  }
0x4: {  	s11 =	simm.s32 $0x1;
	s12 =	simm.s32 $0x2;
	s13 =	simm.s32 $0x6  }
0x5: {  	s14 =	simm.s32 $0x5;
	s15 =	simm.s32 $0x0;
	s6 =	sand.u32 $0x1, s2  }
0x6: {  	s7 =	smul.u32 $0x190000, s0;
	s2 =	rddreg [dreg:$0x3];
	s9 =	sshll.u32 s0, $0x1  }
0x7: {  	[smem:$0x7FF] =	sst s3;
	s8 =	smul.u32 $0xC8000, s6;
	s9 =	sor.u32 s6, s9  }
0x8: {  	s10 =	sadd.s32 $0x2A00, s5;
	s6 =	ssub.s32 $0x2, s6;
	s24 =	smul.u32 $0x380, s9  }
0x9: {  	_ =	strace $0x80000047;
	s26 =	sshrl.u32 s6, $0x1;
	s7 =	sadd.s32 s8, s7  }
0xa: {  	s5 =	ssub.s32 s6, s26;
	s25 =	sor.u32 $0x4000, s7;
	s4 =	sadd.s32 s4, s24  }
0xb: {  	s29 =	sshrl.u32 s7, $0x3;
	s30 =	sadd.s32 $0x8000, s7;
	s7 =	sadd.s32 $0xC000, s7  }
0xc: {  	s5 =	smax.u32 s5, $0x1;
	s9 =	sshrl.u32 s25, $0x3;
	s6 =	sadd.s32 s29, s10  }
0xd: {  	s8 =	sshrl.u32 s30, $0x3;
	s7 =	sshrl.u32 s7, $0x3;
	s28 =	sadd.s32 s9, s10  }
0xe: {  	[dreg:$0x4] =	wrdreg s6;
	s31 =	sadd.s32 s8, s10;
	s6 =	sadd.s32 s7, s10  }
0xf: {  	s7 =	simm.s32 $0x9;
	s8 =	simm.s32 $0x80;
	[dreg:$0x5] =	wrdreg s28  }
0x10: {  	s9 =	simm.s32 $0x1C00;
	s10 =	simm.s32 $0x5C00;
	[dreg:$0x6] =	wrdreg s31  }
.LBB2_1:
0x11: {  	[tilespmem:s3], [sflag:$0x9] =	stream.linear.gather [hbm4b:s4+s3], $0x1900, $0x38;
	[tilespmem:$0x11C00] =	vst v63  }
0x12: {  	_ =	swait.ge [sflag:s7], $0x1900  }
0x13: {  	[sflag:s7] =	ssyncset.done $0x0  }
0x14: {  	[sflag:s7] =	ssyncadd.s32 $0xFFFFE700  }
0x15: {  	[tilespmem:s9], [sflag:$0x1] =	stream.indirect.gather [hbm4b:s1+s8], $0x80, s3, s8, $0xb8;
	[tilespmem:$0x11C00] =	vst v63  }
0x16: {  	p1 =	por $0x0, $0x0  }
0x17: {  	[tilespmem:s10], [sflag:$0x2] =	stream.indirect.gather [hbm4b:s1+s8], $0x80, s8, s8, $0xb8;
	[tilespmem:$0x11C00] =	vst v63  }
0x18: {  	p0 =	por @!p1 $0x1, $0x1;
	_ =	swait.ge [sflag:s11], $0x4000  }
0x19: {  	p0 =	por p0, p1;
	s16 =	rddreg [dreg:$0x4];
	[sflag:s11] =	ssyncset.done $0x0  }
0x1a: {  	s17 =	simm.s32 @!p0 $0x7;
	[sflag:s11] =	ssyncadd.s32 $0xFFFFC000;
	s16 =	sadd.s32 $0x0, s16  }
0x1b: {  	[hbm4b:s16+s3] =	stream.linear.scatter [tilespmem:s9], [sflag:$0x5], $0x4000, $0x38;
	[tilespmem:$0x11C00] =	vst v63  }
0x1c: {  	_ =	swait.ge @!p0 [sflag:s17], $0x4000  }
0x1d: {  	s18 =	simm.s32 @!p1 $0x100;
	s19 =	simm.s32 @!p1 $0x80;
	[sflag:s17] =	ssyncset.done @!p0 $0x0  }
0x1e: {  	s16 =	simm.s32 @!p1 $0x9C00;
	[sflag:s17] =	ssyncadd.s32 @!p0 $0xFFFFC000;
	p0 =	por $0x0, $0x0  }
0x1f: {  	[tilespmem:s16], [sflag:$0x3] =	stream.indirect.gather @!p1 [hbm4b:s1+s19], $0x80, s18, s19, $0xb8;
	[tilespmem:$0x11C00] =	vst v63  }
0x20: {  	p2 =	por @!p0 $0x1, $0x1;
	_ =	swait.ge [sflag:s12], $0x4000  }
0x21: {  	p2 =	por p2, p0;
	s31 =	rddreg [dreg:$0x5];
	[sflag:s12] =	ssyncset.done $0x0  }
0x22: {  	s18 =	simm.s32 @!p2 $0x8;
	[sflag:s12] =	ssyncadd.s32 $0xFFFFC000;
	s17 =	sadd.s32 $0x0, s31  }
0x23: {  	[hbm4b:s17+s3] =	stream.linear.scatter [tilespmem:s10], [sflag:$0x6], $0x4000, $0x38;
	[tilespmem:$0x11C00] =	vst v63  }
0x24: {  	_ =	swait.ge @!p2 [sflag:s18], $0x4000  }
0x25: {  	s20 =	simm.s32 @!p0 $0x80;
	s22 =	simm.s32 @!p0 $0xDC00;
	[sflag:s18] =	ssyncset.done @!p2 $0x0  }
0x26: {  	s17 =	simm.s32 @!p0 $0x180;
	[sflag:s18] =	ssyncadd.s32 @!p2 $0xFFFFC000;
	s18 =	simm.s32 @!p1 $0x3  }
0x27: {  	[tilespmem:s22], [sflag:$0x4] =	stream.indirect.gather @!p0 [hbm4b:s1+s20], $0x80, s17, s20, $0xb8;
	[tilespmem:$0x11C00] =	vst v63  }
0x28: {  	_ =	swait.ge @!p1 [sflag:s18], $0x4000  }
0x29: {  	s21 =	simm.s32 @!p1 $0x5;
	s17 =	rddreg [dreg:$0x6];
	[sflag:s18] =	ssyncset.done @!p1 $0x0  }
0x2a: {  	[sflag:s18] =	ssyncadd.s32 @!p1 $0xFFFFC000;
	s18 =	simm.s32 @!p1 $0x0;
	s17 =	sadd.s32 @!p1 $0x0, s17  }
0x2b: {  	[hbm4b:s17+s18] =	stream.linear.scatter @!p1 [tilespmem:s16], [sflag:$0x7], $0x4000, $0x38;
	[tilespmem:$0x11C00] =	vst v63  }
0x2c: {  	_ =	swait.ge @!p1 [sflag:s21], $0x4000  }
0x2d: {  	s16 =	simm.s32 @!p1 $0x200;
	[sflag:s21] =	ssyncset.done @!p1 $0x0  }
0x2e: {  	s17 =	simm.s32 @!p1 $0x1C00;
	s18 =	simm.s32 @!p0 $0x4;
	[sflag:s21] =	ssyncadd.s32 @!p1 $0xFFFFC000  }
0x2f: {  	[tilespmem:s17], [sflag:$0x1] =	stream.indirect.gather @!p1 [hbm4b:s1+s19], $0x80, s16, s19, $0xb8;
	[tilespmem:$0x11C00] =	vst v63  }
0x30: {  	_ =	swait.ge @!p0 [sflag:s18], $0x4000  }
0x31: {  	s21 =	simm.s32 @!p0 $0x6;
	s16 =	sadd.s32 @!p0 $0x0, s6;
	[sflag:s18] =	ssyncset.done @!p0 $0x0  }
0x32: {  	s17 =	simm.s32 @!p0 $0x0;
	s19 =	simm.s32 $0x280;
	[sflag:s18] =	ssyncadd.s32 @!p0 $0xFFFFC000  }
0x33: {  	[hbm4b:s16+s17] =	stream.linear.scatter @!p0 [tilespmem:s22], [sflag:$0x8], $0x4000, $0x38;
	[tilespmem:$0x11C00] =	vst v63  }
0x34: {  	s18 =	simm.s32 $0x7;
	s16 =	simm.s32 $0x280;
	_ =	swait.ge @!p0 [sflag:s21], $0x4000  }
0x35: {  	s17 =	simm.s32 $0x2000;
	s22 =	simm.s32 @!p0 $0x5C00;
	[sflag:s21] =	ssyncset.done @!p0 $0x0  }
.LBB2_2:
0x36: {  	[sflag:s21] =	ssyncadd.s32 @!p0 $0xFFFFC000;
	s29 =	sadd.s32 $0xFFFFFFFF, s18  }
0x37: {  	[tilespmem:s22], [sflag:$0x2] =	stream.indirect.gather @!p0 [hbm4b:s1+s20], $0x80, s19, s20, $0xb8;
	[tilespmem:$0x11C00] =	vst v63  }
0x38: {  	s21 =	smov.u32 s17;
	p2 =	sgt.u32 s29, $0x31  }
0x39: {  	_ =	swait.ge [sflag:s11], $0x4000;
	p0 =	seq.s32 @!p2 s21, $0x0  }
0x3a: {  	s30 =	rddreg [dreg:$0x4];
	[sflag:s11] =	ssyncset.done $0x0;
	p0 =	por p0, p2  }
0x3b: {  	[sflag:s11] =	ssyncadd.s32 $0xFFFFC000;
	s20 =	sadd.s32 s21, s30;
	s22 =	simm.s32 @!p0 $0x7  }
0x3c: {  	[hbm4b:s20+s3] =	stream.linear.scatter [tilespmem:s9], [sflag:$0x5], $0x4000, $0x38;
	[tilespmem:$0x11C00] =	vst v63  }
0x3d: {  	s16 =	sadd.s32 $0x200, s16;
	_ =	swait.ge @!p0 [sflag:s22], $0x4000  }
0x3e: {  	s23 =	simm.s32 @!p2 $0x9C00;
	s24 =	simm.s32 @!p2 $0x80;
	[sflag:s22] =	ssyncset.done @!p0 $0x0  }
0x3f: {  	s20 =	sadd.s32 @!p2 $0xFFFFFE80, s16;
	[sflag:s22] =	ssyncadd.s32 @!p0 $0xFFFFC000;
	p0 =	sgt.u32 s18, $0x31  }
0x40: {  	[tilespmem:s23], [sflag:$0x3] =	stream.indirect.gather @!p2 [hbm4b:s1+s24], $0x80, s20, s24, $0xb8;
	[tilespmem:$0x11C00] =	vst v63  }
0x41: {  	p3 =	seq.s32 @!p0 s21, $0x0;
	_ =	swait.ge [sflag:s12], $0x4000  }
0x42: {  	p3 =	por p3, p0;
	s31 =	rddreg [dreg:$0x5];
	[sflag:s12] =	ssyncset.done $0x0  }
0x43: {  	s22 =	simm.s32 @!p3 $0x8;
	[sflag:s12] =	ssyncadd.s32 $0xFFFFC000;
	s20 =	sadd.s32 s21, s31  }
0x44: {  	[hbm4b:s20+s3] =	stream.linear.scatter [tilespmem:s10], [sflag:$0x6], $0x4000, $0x38;
	[tilespmem:$0x11C00] =	vst v63  }
0x45: {  	_ =	swait.ge @!p3 [sflag:s22], $0x4000  }
0x46: {  	s25 =	sadd.s32 @!p0 $0xFFFFFF00, s16;
	s26 =	simm.s32 @!p0 $0xDC00;
	[sflag:s22] =	ssyncset.done @!p3 $0x0  }
0x47: {  	s20 =	simm.s32 @!p0 $0x80;
	[sflag:s22] =	ssyncadd.s32 @!p3 $0xFFFFC000;
	s22 =	simm.s32 @!p2 $0x3  }
0x48: {  	[tilespmem:s26], [sflag:$0x4] =	stream.indirect.gather @!p0 [hbm4b:s1+s20], $0x80, s25, s20, $0xb8;
	[tilespmem:$0x11C00] =	vst v63  }
0x49: {  	_ =	swait.ge @!p2 [sflag:s22], $0x4000  }
0x4a: {  	s28 =	simm.s32 @!p2 $0x5;
	[sflag:s22] =	ssyncset.done @!p2 $0x0;
	s25 =	rddreg [dreg:$0x6]  }
0x4b: {  	[sflag:s22] =	ssyncadd.s32 @!p2 $0xFFFFC000;
	s22 =	simm.s32 @!p2 $0x0;
	s25 =	sadd.s32 @!p2 s21, s25  }
0x4c: {  	[hbm4b:s25+s22] =	stream.linear.scatter @!p2 [tilespmem:s23], [sflag:$0x7], $0x4000, $0x38;
	[tilespmem:$0x11C00] =	vst v63  }
0x4d: {  	_ =	swait.ge @!p2 [sflag:s28], $0x4000  }
0x4e: {  	s17 =	sadd.s32 $0x2000, s17;
	s22 =	sadd.s32 @!p2 $0xFFFFFF80, s16;
	[sflag:s28] =	ssyncset.done @!p2 $0x0  }
0x4f: {  	s23 =	simm.s32 @!p2 $0x1C00;
	s25 =	simm.s32 @!p0 $0x4;
	[sflag:s28] =	ssyncadd.s32 @!p2 $0xFFFFC000  }
0x50: {  	[tilespmem:s23], [sflag:$0x1] =	stream.indirect.gather @!p2 [hbm4b:s1+s24], $0x80, s22, s24, $0xb8;
	[tilespmem:$0x11C00] =	vst v63  }
0x51: {  	p1 =	sne.s32 s17, $0x1A000;
	_ =	swait.ge @!p0 [sflag:s25], $0x4000  }
.Ltmp0:
0x52: {  	s22 =	sadd.s32 @!p0 s21, s6;
	[sflag:s25] =	ssyncset.done @!p0 $0x0;
	(pc) =	sbr.rel @p1 .LBB2_2-.Ltmp0, $4  }
0x53: {  	s23 =	simm.s32 @!p0 $0x0;
	s21 =	simm.s32 @!p0 $0x6;
	[sflag:s25] =	ssyncadd.s32 @!p0 $0xFFFFC000  }
0x54: {  	[hbm4b:s22+s23] =	stream.linear.scatter @!p0 [tilespmem:s26], [sflag:$0x8], $0x4000, $0x38;
	[tilespmem:$0x11C00] =	vst v63  }
0x55: {  	s19 =	smov.u32 s16;
	_ =	swait.ge @!p0 [sflag:s21], $0x4000  }
0x56: {  	s18 =	sadd.s32 $0x4, s18;
	s22 =	simm.s32 @!p0 $0x5C00;
	[sflag:s21] =	ssyncset.done @!p0 $0x0  }
0x57: {  	[sflag:s21] =	ssyncadd.s32 @!p0 $0xFFFFC000;
	s15 =	sadd.s32 $0x1, s15  }
0x58: {  	[tilespmem:s22], [sflag:$0x2] =	stream.indirect.gather @!p0 [hbm4b:s1+s20], $0x80, s19, s20, $0xb8;
	[tilespmem:$0x11C00] =	vst v63  }
0x59: {  	p0 =	sne.s32 s15, s5;
	_ =	swait.ge [sflag:s13], $0x4000  }
.Ltmp1:
0x5a: {  	[sflag:s13] =	ssyncset.done $0x0;
	(pc) =	sbr.rel @p0 .LBB2_1-.Ltmp1, $4  }
0x5b: {  	[sflag:s13] =	ssyncadd.s32 $0xFFFFC000  }
0x5c: {  	_ =	swait.ge [sflag:s14], $0x4000  }
0x5d: {  	[sflag:s14] =	ssyncset.done $0x0  }
0x5e: {  	[sflag:s14] =	ssyncadd.s32 $0xFFFFC000  }
0x5f: {  	_ =	sfence.sel $0x180000  }
0x60: {  	[bflag:$0x0] =	sbarrier.arrive $0xFFFF  }
0x61: {  	p0 =	sne.s32 s0, $0x0;
	_ =	strace $0x90000047  }
0x62: {  	s0 =	sadd.s32 @!p0 $0x100000, s2;
	[bflag:$0x2] =	sbarrier.arrive $0xFFFF  }
0x63: {  	[sflag:s0] =	ssyncadd.tile.s32 @!p0 $0x1;
	_ =	shalt  }
.Lfunc_end2:
_tile_overlayer_lowered:
.L_overlay_start_2:
0x64: {  	(tag) =	ssettag $0x2  }
0x65: {  	s0 =	rddreg [dreg:$0x0];
	s2 =	stileid.u32  }
0x66: {  	s1 =	rddreg [dreg:$0x1];
	p0 =	sne.s32 s2, $0x0  }
0x67: {  	s3 =	rddreg [dreg:$0x2];
	[bflag:$0x3] =	sbarrier.arrive $0xFFFF;
	s2 =	simm.s32 @!p0 $0x1C09  }
0x68: {  	[timem:s3], [sflag:s2] =	dma.local @!p0 [hbm:s0], s1  }
0x69: {  	s0 =	simm.s32 @!p0 $0x9  }
0x6a: {  	_ =	swait.ge @!p0 [sflag:s0], s1  }
0x6b: {  	s1 =	ssub.s32 @!p0 $0x0, s1;
	[sflag:s0] =	ssyncset.done @!p0 $0x0  }
0x6c: {  	[sflag:s0] =	ssyncadd.s32 @!p0 s1  }
0x6d: {  	[bflag:$0x3] =	sbarrier.arrive $0xFFFF  }
0x6e: {  	_ =	shalt  }

</sc_bundles>
